<compile_context>
chip_gen: v7x
topology: tpu7x:2x2x1
jax: 0.10.2.dev20260603
libtpu: 0.0.44.dev20260713+nightly
codegen_flags: <defaults>
</compile_context>

<pallas_src>
import functools

import jax
import jax.numpy as jnp
from jax import lax
from jax.experimental import pallas as pl
from jax.experimental.pallas import tpu as pltpu
from jax.experimental.pallas import tpu_sc as plsc

B = 1024
L = 200
EM = 160
DD = 8
NC = 2
NS = 16
NW = NC * NS
BPW = B // NW
NCH = 5
CH = L // NCH
EV = EM // 16

_mesh = plsc.VectorSubcoreMesh(core_axis_name="c", subcore_axis_name="s")


@functools.partial(
    pl.kernel,
    out_type=[
        jax.ShapeDtypeStruct((B, EM), jnp.float32),
        jax.ShapeDtypeStruct((B, 16), jnp.float32),
        jax.ShapeDtypeStruct((B, EM), jnp.float32),
        jax.ShapeDtypeStruct((B, DD), jnp.float32),
    ],
    mesh=_mesh,
    compiler_params=pltpu.CompilerParams(use_tc_tiling_on_sc=False,
                                         needs_layout_passes=False),
    scratch_types=[
        pltpu.VMEM((BPW * L,), jnp.int32),
        pltpu.VMEM((BPW,), jnp.int32),
        pltpu.VMEM((NCH, CH, EM), jnp.float32),
        pltpu.VMEM((NCH, CH, DD), jnp.float32),
        pltpu.VMEM((BPW, EM), jnp.float32),
        pltpu.VMEM((BPW, 16), jnp.float32),
        pltpu.VMEM((BPW, EM), jnp.float32),
        pltpu.VMEM((BPW, DD), jnp.float32),
        pltpu.VMEM((32,), jnp.float32),
        pltpu.SemaphoreType.DMA,
    ],
)
def _sc_bag_sums(hist_hbm, tgt_hbm, emb_hbm, dense_hbm,
                 us_hbm, ud_hbm, ts_hbm, td_hbm,
                 idx_v, tgt_v, erows_v, drows_v, us_v, ud_v, trow_v, tdrow_v,
                 mask_v, sem):
    wid = lax.axis_index("s") * NC + lax.axis_index("c")
    base = wid * BPW

    pltpu.sync_copy(hist_hbm.at[pl.ds(base * L, BPW * L)], idx_v)
    pltpu.sync_copy(tgt_hbm.at[pl.ds(base, BPW)], tgt_v)

    pltpu.async_copy(emb_hbm.at[tgt_v], trow_v, sem).wait()
    pltpu.async_copy(dense_hbm.at[tgt_v], tdrow_v, sem).wait()

    lanes = lax.iota(jnp.int32, 16)
    row_off = jnp.where(lanes >= 8, 1, 0)
    col_idx = lanes & 7

    def bag_body(b, _):
        cps = []
        for c in range(NCH):
            sl = idx_v.at[pl.ds(b * L + c * CH, CH)]
            cps.append(pltpu.async_copy(emb_hbm.at[sl], erows_v.at[c], sem))
            cps.append(pltpu.async_copy(dense_hbm.at[sl], drows_v.at[c], sem))
        for cp in cps:
            cp.wait()

        accs = tuple(jnp.zeros((16,), jnp.float32) for _ in range(EV))
        for c in range(NCH):
            def erow_body(r, a, c=c):
                return tuple(x + erows_v[c, r, pl.ds(d * 16, 16)]
                             for d, x in enumerate(a))
            accs = lax.fori_loop(0, CH, erow_body, accs)
        for d, a in enumerate(accs):
            us_v[b, pl.ds(d * 16, 16)] = a

        dacc = jnp.zeros((16,), jnp.float32)
        for c in range(NCH):
            cidx = jnp.zeros((16,), jnp.int32) + c

            def drow_body(i, acc, cidx=cidx):
                ridx = 2 * i + row_off
                return acc + plsc.load_gather(drows_v, [cidx, ridx, col_idx])
            dacc = lax.fori_loop(0, CH // 2, drow_body, dacc)
        mask_v[pl.ds(0, 16)] = dacc
        hi = plsc.load_gather(mask_v, [lanes ^ 8])
        ud_v[b, :] = dacc + hi
        return 0

    lax.fori_loop(0, BPW, bag_body, 0)

    for g in range(BPW // 16):
        tv = tgt_v[pl.ds(g * 16, 16)]
        mask_v[pl.ds(g * 16, 16)] = jnp.where(tv != 0, 1.0, 0.0)

    def mask_body(j, _):
        bc = plsc.load_gather(mask_v, [jnp.zeros((16,), jnp.int32) + j])
        for d in range(EV):
            trow_v[j, pl.ds(d * 16, 16)] = trow_v[j, pl.ds(d * 16, 16)] * bc
        return 0

    lax.fori_loop(0, BPW, mask_body, 0)

    pltpu.sync_copy(us_v, us_hbm.at[pl.ds(base, BPW), :])
    pltpu.sync_copy(ud_v, ud_hbm.at[pl.ds(base, BPW), :])
    pltpu.sync_copy(trow_v, ts_hbm.at[pl.ds(base, BPW), :])
    pltpu.sync_copy(tdrow_v, td_hbm.at[pl.ds(base, BPW), :])


def _tr_body(src_ref, dst_ref):
    dst_ref[:] = src_ref[:].T


_TBLK = 2048
_NBLK = (100001 + _TBLK - 1) // _TBLK

_emb_tr = pl.pallas_call(
    _tr_body,
    grid=(_NBLK,),
    in_specs=[pl.BlockSpec((EM, _TBLK), lambda i: (0, i))],
    out_specs=pl.BlockSpec((_TBLK, EM), lambda i: (i, 0)),
    out_shape=jax.ShapeDtypeStruct((100001, EM), jnp.float32),
)

_dense_tr = pl.pallas_call(
    _tr_body,
    grid=(_NBLK,),
    in_specs=[pl.BlockSpec((DD, _TBLK), lambda i: (0, i))],
    out_specs=pl.BlockSpec((_TBLK, DD), lambda i: (i, 0)),
    out_shape=jax.ShapeDtypeStruct((100001, DD), jnp.float32),
)


def _mlp_body(x_ref, w1_ref, b1_ref, w2_ref, b2_ref, w3_ref, b3_ref, o_ref):
    x = x_ref[:]
    h = lax.dot_general(x, w1_ref[:], (((1,), (1,)), ((), ())),
                        preferred_element_type=jnp.float32)
    h = jnp.maximum(h + b1_ref[:], 0.0)
    h = lax.dot_general(h, w2_ref[:], (((1,), (1,)), ((), ())),
                        preferred_element_type=jnp.float32)
    h = jnp.maximum(h + b2_ref[:], 0.0)
    h = lax.dot_general(h, w3_ref[:], (((1,), (1,)), ((), ())),
                        preferred_element_type=jnp.float32)
    o_ref[:] = h + b3_ref[:]


_mlp = pl.pallas_call(
    _mlp_body,
    out_shape=jax.ShapeDtypeStruct((B, 8), jnp.float32),
)


def kernel(user_features, user_ad_history, target_ad_id, emb_table, dense_table,
           fc1_w, fc1_b, fc2_w, fc2_b, fc3_w, fc3_b):
    hist = (user_ad_history.astype(jnp.int32) + 1).reshape(B * L)
    tgt = target_ad_id.astype(jnp.int32)

    emb_rm = _emb_tr(jnp.transpose(emb_table))
    dense_rm = _dense_tr(jnp.transpose(dense_table))
    us, ud, ts, td = _sc_bag_sums(hist, tgt, emb_rm, dense_rm)

    x = jnp.concatenate([ud[:, :DD], td, us, ts, user_features], axis=1)

    w3p = jnp.zeros((8, 80), jnp.float32).at[:2, :].set(fc3_w)
    b3p = jnp.zeros((8,), jnp.float32).at[:2].set(fc3_b)
    out = _mlp(x, fc1_w, fc1_b.reshape(1, -1), fc2_w, fc2_b.reshape(1, -1),
               w3p, b3p.reshape(1, -1))
    return out[:, :2]

# --- scband reference (transcript-rebuilt; emitter-appended) ---
"""Pipeline reference for scband-rec-model-20212116095663 (READ-ONLY COPY).

The authoritative reference and input builder live on the scoring server;
editing this copy changes nothing except your own understanding.
"""

import jax, jax.numpy as jnp
import numpy as np

B = 1024
L = 200
NUM_ADS = 100000
EM = 160
DD = 8
DU = 4


def setup_inputs(seed: int = 0) -> dict:
    key = jax.random.key(seed)
    ks = jax.random.split(key, 12)
    inp = {}
    inp["user_features"] = jax.random.normal(ks[0], (B, DU), dtype=jnp.float32)
    inp["user_ad_history"] = jax.random.randint(ks[1], (B, L), 0, NUM_ADS).astype(jnp.int64)
    inp["target_ad_id"] = jax.random.randint(ks[2], (B,), 0, NUM_ADS + 1).astype(jnp.int64)
    inp["emb_table"] = jax.random.normal(ks[3], (NUM_ADS + 1, EM), dtype=jnp.float32) * 0.01
    inp["dense_table"] = jax.random.normal(ks[4], (NUM_ADS + 1, DD), dtype=jnp.float32)
    inp["fc1_w"] = jax.random.normal(ks[5], (200, 340), dtype=jnp.float32) * (1.0 / np.sqrt(340))
    inp["fc1_b"] = jnp.zeros((200,), dtype=jnp.float32)
    inp["fc2_w"] = jax.random.normal(ks[6], (80, 200), dtype=jnp.float32) * (1.0 / np.sqrt(200))
    inp["fc2_b"] = jnp.zeros((80,), dtype=jnp.float32)
    inp["fc3_w"] = jax.random.normal(ks[7], (2, 80), dtype=jnp.float32) * (1.0 / np.sqrt(80))
    inp["fc3_b"] = jnp.zeros((2,), dtype=jnp.float32)
    return inp


def reference(user_features, user_ad_history, target_ad_id, emb_table, dense_table, fc1_w, fc1_b, fc2_w, fc2_b, fc3_w, fc3_b):
    # forward zeroes padding row 0 of the ad embedding table each call
    emb_table = emb_table.at[0, :].set(0.0)
    hist = user_ad_history + 1
    tgt = target_ad_id.reshape(-1, 1)
    # EmbeddingBag(mode='sum'): gather then sum over bag dimension
    target_ad_sparse_feature = jnp.take(emb_table, tgt, axis=0).sum(axis=1)
    user_ad_sparse_features = jnp.take(emb_table, hist, axis=0).sum(axis=1)
    user_ad_dense_features = jnp.take(dense_table, hist, axis=0).sum(axis=1)
    target_ad_dense_feature = jnp.take(dense_table, tgt, axis=0).sum(axis=1)
    x = jnp.concatenate([user_ad_dense_features, target_ad_dense_feature, user_ad_sparse_features, target_ad_sparse_feature, user_features], axis=1)
    x = jax.nn.relu(x @ fc1_w.T + fc1_b)
    x = jax.nn.relu(x @ fc2_w.T + fc2_b)
    x = x @ fc3_w.T + fc3_b
    return x

if __name__ == "__main__":
    import jax
    _d = setup_inputs()
    print(jax.jit(kernel)(*tuple(_d.values())))

</pallas_src>

<mosaic_0001>
#map = affine_map<(d0, d1) -> (0)>
#map1 = affine_map<(d0, d1) -> (0, 0)>
module attributes {stable_mosaic.version = 14 : i64} {
  func.func @_sc_bag_sums(%arg0: i32, %arg1: i32, %arg2: memref<204800xi32, #tpu.memory_space<hbm>>, %arg3: memref<1024xi32, #tpu.memory_space<hbm>>, %arg4: memref<100001x160xf32, #tpu.memory_space<hbm>>, %arg5: memref<100001x8xf32, #tpu.memory_space<hbm>>, %arg6: memref<1024x160xf32, #tpu.memory_space<hbm>>, %arg7: memref<1024x16xf32, #tpu.memory_space<hbm>>, %arg8: memref<1024x160xf32, #tpu.memory_space<hbm>>, %arg9: memref<1024x8xf32, #tpu.memory_space<hbm>>, %arg10: memref<6400xi32, #tpu.memory_space<vmem>>, %arg11: memref<32xi32, #tpu.memory_space<vmem>>, %arg12: memref<5x40x160xf32, #tpu.memory_space<vmem>>, %arg13: memref<5x40x8xf32, #tpu.memory_space<vmem>>, %arg14: memref<32x160xf32, #tpu.memory_space<vmem>>, %arg15: memref<32x16xf32, #tpu.memory_space<vmem>>, %arg16: memref<32x160xf32, #tpu.memory_space<vmem>>, %arg17: memref<32x8xf32, #tpu.memory_space<vmem>>, %arg18: memref<32xf32, #tpu.memory_space<vmem>>, %arg19: memref<!tpu.dma_semaphore, #tpu.memory_space<semaphore_mem>>) attributes {dimension_semantics = [#tpu.dimension_semantics<core_parallel>, #tpu.dimension_semantics<subcore_parallel>], iteration_bounds = array<i64: 2, 16>, scalar_prefetch = 0 : i64, scratch_operands = 10 : i64, tpu.core_type = #tpu.core_type<sc_vector_subcore>, window_params = [{transform_indices = #map}, {transform_indices = #map}, {transform_indices = #map1}, {transform_indices = #map1}, {transform_indices = #map1}, {transform_indices = #map1}, {transform_indices = #map1}, {transform_indices = #map1}]} {
    %mul3A = arith.constant 2 : i32
    %mul3A_0 = arith.muli %arg1, %mul3A : i32
    %add3A = arith.addi %mul3A_0, %arg0 : i32
    %mul3A_1 = arith.constant 32 : i32
    %mul3A_2 = arith.muli %add3A, %mul3A_1 : i32
    %mul3A_3 = arith.constant 200 : i32
    %mul3A_4 = arith.muli %mul3A_2, %mul3A_3 : i32
    "tpu.region"() ({
      %run_scoped3A = tpu.sem_alloc : memref<!tpu.dma_semaphore, #tpu.memory_space<semaphore_mem>>
      %dma_start3A_55 = tpu.memref_slice %arg2[%mul3A_4] : memref<204800xi32, #tpu.memory_space<hbm>> -> memref<6400xi32, #tpu.memory_space<hbm>>
      %dma_start3A_56 = tpu.memref_slice %arg2[%mul3A_4] : memref<204800xi32, #tpu.memory_space<hbm>> -> memref<6400xi32, #tpu.memory_space<hbm>>
      tpu.enqueue_dma source(%dma_start3A_56 : memref<6400xi32, #tpu.memory_space<hbm>>) target(%arg10 : memref<6400xi32, #tpu.memory_space<vmem>>) target_semaphore(%run_scoped3A : memref<!tpu.dma_semaphore, #tpu.memory_space<semaphore_mem>>)
      %dma_wait3A_57 = tpu.memref_slice %arg2[%mul3A_4] : memref<204800xi32, #tpu.memory_space<hbm>> -> memref<6400xi32, #tpu.memory_space<hbm>>
      %dma_wait3A_58 = tpu.memref_slice %arg2[%mul3A_4] : memref<204800xi32, #tpu.memory_space<hbm>> -> memref<6400xi32, #tpu.memory_space<hbm>>
      tpu.wait_dma2 semaphore(%run_scoped3A : memref<!tpu.dma_semaphore, #tpu.memory_space<semaphore_mem>>) src(%dma_wait3A_58 : memref<6400xi32, #tpu.memory_space<hbm>>) dst(%arg10 : memref<6400xi32, #tpu.memory_space<vmem>>)
      tpu.yield
    }) : () -> ()
    "tpu.region"() ({
      %run_scoped3A = tpu.sem_alloc : memref<!tpu.dma_semaphore, #tpu.memory_space<semaphore_mem>>
      %dma_start3A_55 = tpu.memref_slice %arg3[%mul3A_2] : memref<1024xi32, #tpu.memory_space<hbm>> -> memref<32xi32, #tpu.memory_space<hbm>>
      %dma_start3A_56 = tpu.memref_slice %arg3[%mul3A_2] : memref<1024xi32, #tpu.memory_space<hbm>> -> memref<32xi32, #tpu.memory_space<hbm>>
      tpu.enqueue_dma source(%dma_start3A_56 : memref<32xi32, #tpu.memory_space<hbm>>) target(%arg11 : memref<32xi32, #tpu.memory_space<vmem>>) target_semaphore(%run_scoped3A : memref<!tpu.dma_semaphore, #tpu.memory_space<semaphore_mem>>)
      %dma_wait3A_57 = tpu.memref_slice %arg3[%mul3A_2] : memref<1024xi32, #tpu.memory_space<hbm>> -> memref<32xi32, #tpu.memory_space<hbm>>
      %dma_wait3A_58 = tpu.memref_slice %arg3[%mul3A_2] : memref<1024xi32, #tpu.memory_space<hbm>> -> memref<32xi32, #tpu.memory_space<hbm>>
      tpu.wait_dma2 semaphore(%run_scoped3A : memref<!tpu.dma_semaphore, #tpu.memory_space<semaphore_mem>>) src(%dma_wait3A_58 : memref<32xi32, #tpu.memory_space<hbm>>) dst(%arg11 : memref<32xi32, #tpu.memory_space<vmem>>)
      tpu.yield
    }) : () -> ()
    %dma_start3A = arith.constant 0 : i32
    %dma_start3A_5 = arith.constant 0 : i32
    %dma_start3A_6 = tpu.memref_slice %arg4[%dma_start3A, %dma_start3A_5] : memref<100001x160xf32, #tpu.memory_space<hbm>> -> memref<100001x160xf32, #tpu.memory_space<hbm>>
    tpu.enqueue_indirect_dma source(%dma_start3A_6 : memref<100001x160xf32, #tpu.memory_space<hbm>>) target(%arg16 : memref<32x160xf32, #tpu.memory_space<vmem>>) offsets(%arg11 : memref<32xi32, #tpu.memory_space<vmem>>) semaphore(%arg19 : memref<!tpu.dma_semaphore, #tpu.memory_space<semaphore_mem>>)
    %dma_wait3A = arith.constant 0 : i32
    %dma_wait3A_7 = arith.constant 0 : i32
    %dma_wait3A_8 = tpu.memref_slice %arg4[%dma_wait3A, %dma_wait3A_7] : memref<100001x160xf32, #tpu.memory_space<hbm>> -> memref<100001x160xf32, #tpu.memory_space<hbm>>
    tpu.wait_indirect_dma semaphore(%arg19 : memref<!tpu.dma_semaphore, #tpu.memory_space<semaphore_mem>>) src(%dma_wait3A_8 : memref<100001x160xf32, #tpu.memory_space<hbm>>) dst(%arg16 : memref<32x160xf32, #tpu.memory_space<vmem>>)
    %dma_start3A_9 = arith.constant 0 : i32
    %dma_start3A_10 = arith.constant 0 : i32
    %dma_start3A_11 = tpu.memref_slice %arg5[%dma_start3A_9, %dma_start3A_10] : memref<100001x8xf32, #tpu.memory_space<hbm>> -> memref<100001x8xf32, #tpu.memory_space<hbm>>
    tpu.enqueue_indirect_dma source(%dma_start3A_11 : memref<100001x8xf32, #tpu.memory_space<hbm>>) target(%arg17 : memref<32x8xf32, #tpu.memory_space<vmem>>) offsets(%arg11 : memref<32xi32, #tpu.memory_space<vmem>>) semaphore(%arg19 : memref<!tpu.dma_semaphore, #tpu.memory_space<semaphore_mem>>)
    %dma_wait3A_12 = arith.constant 0 : i32
    %dma_wait3A_13 = arith.constant 0 : i32
    %dma_wait3A_14 = tpu.memref_slice %arg5[%dma_wait3A_12, %dma_wait3A_13] : memref<100001x8xf32, #tpu.memory_space<hbm>> -> memref<100001x8xf32, #tpu.memory_space<hbm>>
    tpu.wait_indirect_dma semaphore(%arg19 : memref<!tpu.dma_semaphore, #tpu.memory_space<semaphore_mem>>) src(%dma_wait3A_14 : memref<100001x8xf32, #tpu.memory_space<hbm>>) dst(%arg17 : memref<32x8xf32, #tpu.memory_space<vmem>>)
    %iota3A = tpu.iota {dimensions = array<i32: 0>} : vector<16xi32>
    %ge3A = arith.constant 8 : i32
    %ge3A_15 = vector.broadcast %ge3A : i32 to vector<16xi32>
    %ge3A_16 = arith.cmpi sge, %iota3A, %ge3A_15 : vector<16xi32>
    %jit3A = arith.constant 1 : i32
    %jit3A_17 = arith.constant 0 : i32
    %broadcast_in_dim3A = vector.broadcast %jit3A : i32 to vector<16xi32>
    %broadcast_in_dim3A_18 = vector.broadcast %jit3A_17 : i32 to vector<16xi32>
    %select_n3A = arith.select %ge3A_16, %broadcast_in_dim3A, %broadcast_in_dim3A_18 : vector<16xi1>, vector<16xi32>
    %and3A = arith.constant 7 : i32
    %and3A_19 = vector.broadcast %and3A : i32 to vector<16xi32>
    %and3A_20 = arith.andi %iota3A, %and3A_19 : vector<16xi32>
    %scan3A = arith.constant 0 : i32
    %scan3A_21 = arith.constant 0 : i32
    %scan3A_22 = arith.constant 32 : i32
    %scan3A_23 = arith.addi %scan3A_21, %scan3A_22 : i32
    %scan3A_24 = arith.constant 1 : i32
    %scan3A_25 = scf.for %scan3A_55 = %scan3A_21 to %scan3A_23 step %scan3A_24 iter_args(%scan3A_56 = %scan3A) -> (i32)  : i32 {
      %mul3A_57 = arith.constant 200 : i32
      %mul3A_58 = arith.muli %scan3A_55, %mul3A_57 : i32
      %add3A_59 = arith.constant 0 : i32
      %add3A_60 = arith.addi %mul3A_58, %add3A_59 : i32
      %dma_start3A_61 = arith.constant 0 : i32
      %dma_start3A_62 = arith.constant 0 : i32
      %dma_start3A_63 = arith.constant 0 : i32
      %dma_start3A_64 = tpu.memref_slice %arg12[%dma_start3A_61, %dma_start3A_62, %dma_start3A_63] : memref<5x40x160xf32, #tpu.memory_space<vmem>> -> memref<1x40x160xf32, #tpu.memory_space<vmem>>
      %dma_start3A_65 = tpu.memref_squeeze %dma_start3A_64 : memref<1x40x160xf32, #tpu.memory_space<vmem>> -> memref<40x160xf32, #tpu.memory_space<vmem>>
      %dma_start3A_66 = tpu.memref_slice %arg10[%add3A_60] : memref<6400xi32, #tpu.memory_space<vmem>> -> memref<40xi32, #tpu.memory_space<vmem>>
      %dma_start3A_67 = arith.constant 0 : i32
      %dma_start3A_68 = arith.constant 0 : i32
      %dma_start3A_69 = tpu.memref_slice %arg4[%dma_start3A_67, %dma_start3A_68] : memref<100001x160xf32, #tpu.memory_space<hbm>> -> memref<100001x160xf32, #tpu.memory_space<hbm>>
      tpu.enqueue_indirect_dma source(%dma_start3A_69 : memref<100001x160xf32, #tpu.memory_space<hbm>>) target(%dma_start3A_65 : memref<40x160xf32, #tpu.memory_space<vmem>>) offsets(%dma_start3A_66 : memref<40xi32, #tpu.memory_space<vmem>>) semaphore(%arg19 : memref<!tpu.dma_semaphore, #tpu.memory_space<semaphore_mem>>)
      %dma_start3A_70 = arith.constant 0 : i32
      %dma_start3A_71 = arith.constant 0 : i32
      %dma_start3A_72 = arith.constant 0 : i32
      %dma_start3A_73 = tpu.memref_slice %arg13[%dma_start3A_70, %dma_start3A_71, %dma_start3A_72] : memref<5x40x8xf32, #tpu.memory_space<vmem>> -> memref<1x40x8xf32, #tpu.memory_space<vmem>>
      %dma_start3A_74 = tpu.memref_squeeze %dma_start3A_73 : memref<1x40x8xf32, #tpu.memory_space<vmem>> -> memref<40x8xf32, #tpu.memory_space<vmem>>
      %dma_start3A_75 = tpu.memref_slice %arg10[%add3A_60] : memref<6400xi32, #tpu.memory_space<vmem>> -> memref<40xi32, #tpu.memory_space<vmem>>
      %dma_start3A_76 = arith.constant 0 : i32
      %dma_start3A_77 = arith.constant 0 : i32
      %dma_start3A_78 = tpu.memref_slice %arg5[%dma_start3A_76, %dma_start3A_77] : memref<100001x8xf32, #tpu.memory_space<hbm>> -> memref<100001x8xf32, #tpu.memory_space<hbm>>
      tpu.enqueue_indirect_dma source(%dma_start3A_78 : memref<100001x8xf32, #tpu.memory_space<hbm>>) target(%dma_start3A_74 : memref<40x8xf32, #tpu.memory_space<vmem>>) offsets(%dma_start3A_75 : memref<40xi32, #tpu.memory_space<vmem>>) semaphore(%arg19 : memref<!tpu.dma_semaphore, #tpu.memory_space<semaphore_mem>>)
      %mul3A_79 = arith.constant 200 : i32
      %mul3A_80 = arith.muli %scan3A_55, %mul3A_79 : i32
      %add3A_81 = arith.constant 40 : i32
      %add3A_82 = arith.addi %mul3A_80, %add3A_81 : i32
      %dma_start3A_83 = arith.constant 1 : i32
      %dma_start3A_84 = arith.constant 0 : i32
      %dma_start3A_85 = arith.constant 0 : i32
      %dma_start3A_86 = tpu.memref_slice %arg12[%dma_start3A_83, %dma_start3A_84, %dma_start3A_85] : memref<5x40x160xf32, #tpu.memory_space<vmem>> -> memref<1x40x160xf32, #tpu.memory_space<vmem>>
      %dma_start3A_87 = tpu.memref_squeeze %dma_start3A_86 : memref<1x40x160xf32, #tpu.memory_space<vmem>> -> memref<40x160xf32, #tpu.memory_space<vmem>>
      %dma_start3A_88 = tpu.memref_slice %arg10[%add3A_82] : memref<6400xi32, #tpu.memory_space<vmem>> -> memref<40xi32, #tpu.memory_space<vmem>>
      %dma_start3A_89 = arith.constant 0 : i32
      %dma_start3A_90 = arith.constant 0 : i32
      %dma_start3A_91 = tpu.memref_slice %arg4[%dma_start3A_89, %dma_start3A_90] : memref<100001x160xf32, #tpu.memory_space<hbm>> -> memref<100001x160xf32, #tpu.memory_space<hbm>>
      tpu.enqueue_indirect_dma source(%dma_start3A_91 : memref<100001x160xf32, #tpu.memory_space<hbm>>) target(%dma_start3A_87 : memref<40x160xf32, #tpu.memory_space<vmem>>) offsets(%dma_start3A_88 : memref<40xi32, #tpu.memory_space<vmem>>) semaphore(%arg19 : memref<!tpu.dma_semaphore, #tpu.memory_space<semaphore_mem>>)
      %dma_start3A_92 = arith.constant 1 : i32
      %dma_start3A_93 = arith.constant 0 : i32
      %dma_start3A_94 = arith.constant 0 : i32
      %dma_start3A_95 = tpu.memref_slice %arg13[%dma_start3A_92, %dma_start3A_93, %dma_start3A_94] : memref<5x40x8xf32, #tpu.memory_space<vmem>> -> memref<1x40x8xf32, #tpu.memory_space<vmem>>
      %dma_start3A_96 = tpu.memref_squeeze %dma_start3A_95 : memref<1x40x8xf32, #tpu.memory_space<vmem>> -> memref<40x8xf32, #tpu.memory_space<vmem>>
      %dma_start3A_97 = tpu.memref_slice %arg10[%add3A_82] : memref<6400xi32, #tpu.memory_space<vmem>> -> memref<40xi32, #tpu.memory_space<vmem>>
      %dma_start3A_98 = arith.constant 0 : i32
      %dma_start3A_99 = arith.constant 0 : i32
      %dma_start3A_100 = tpu.memref_slice %arg5[%dma_start3A_98, %dma_start3A_99] : memref<100001x8xf32, #tpu.memory_space<hbm>> -> memref<100001x8xf32, #tpu.memory_space<hbm>>
      tpu.enqueue_indirect_dma source(%dma_start3A_100 : memref<100001x8xf32, #tpu.memory_space<hbm>>) target(%dma_start3A_96 : memref<40x8xf32, #tpu.memory_space<vmem>>) offsets(%dma_start3A_97 : memref<40xi32, #tpu.memory_space<vmem>>) semaphore(%arg19 : memref<!tpu.dma_semaphore, #tpu.memory_space<semaphore_mem>>)
      %mul3A_101 = arith.constant 200 : i32
      %mul3A_102 = arith.muli %scan3A_55, %mul3A_101 : i32
      %add3A_103 = arith.constant 80 : i32
      %add3A_104 = arith.addi %mul3A_102, %add3A_103 : i32
      %dma_start3A_105 = arith.constant 2 : i32
      %dma_start3A_106 = arith.constant 0 : i32
      %dma_start3A_107 = arith.constant 0 : i32
      %dma_start3A_108 = tpu.memref_slice %arg12[%dma_start3A_105, %dma_start3A_106, %dma_start3A_107] : memref<5x40x160xf32, #tpu.memory_space<vmem>> -> memref<1x40x160xf32, #tpu.memory_space<vmem>>
      %dma_start3A_109 = tpu.memref_squeeze %dma_start3A_108 : memref<1x40x160xf32, #tpu.memory_space<vmem>> -> memref<40x160xf32, #tpu.memory_space<vmem>>
      %dma_start3A_110 = tpu.memref_slice %arg10[%add3A_104] : memref<6400xi32, #tpu.memory_space<vmem>> -> memref<40xi32, #tpu.memory_space<vmem>>
      %dma_start3A_111 = arith.constant 0 : i32
      %dma_start3A_112 = arith.constant 0 : i32
      %dma_start3A_113 = tpu.memref_slice %arg4[%dma_start3A_111, %dma_start3A_112] : memref<100001x160xf32, #tpu.memory_space<hbm>> -> memref<100001x160xf32, #tpu.memory_space<hbm>>
      tpu.enqueue_indirect_dma source(%dma_start3A_113 : memref<100001x160xf32, #tpu.memory_space<hbm>>) target(%dma_start3A_109 : memref<40x160xf32, #tpu.memory_space<vmem>>) offsets(%dma_start3A_110 : memref<40xi32, #tpu.memory_space<vmem>>) semaphore(%arg19 : memref<!tpu.dma_semaphore, #tpu.memory_space<semaphore_mem>>)
      %dma_start3A_114 = arith.constant 2 : i32
      %dma_start3A_115 = arith.constant 0 : i32
      %dma_start3A_116 = arith.constant 0 : i32
      %dma_start3A_117 = tpu.memref_slice %arg13[%dma_start3A_114, %dma_start3A_115, %dma_start3A_116] : memref<5x40x8xf32, #tpu.memory_space<vmem>> -> memref<1x40x8xf32, #tpu.memory_space<vmem>>
      %dma_start3A_118 = tpu.memref_squeeze %dma_start3A_117 : memref<1x40x8xf32, #tpu.memory_space<vmem>> -> memref<40x8xf32, #tpu.memory_space<vmem>>
      %dma_start3A_119 = tpu.memref_slice %arg10[%add3A_104] : memref<6400xi32, #tpu.memory_space<vmem>> -> memref<40xi32, #tpu.memory_space<vmem>>
      %dma_start3A_120 = arith.constant 0 : i32
      %dma_start3A_121 = arith.constant 0 : i32
      %dma_start3A_122 = tpu.memref_slice %arg5[%dma_start3A_120, %dma_start3A_121] : memref<100001x8xf32, #tpu.memory_space<hbm>> -> memref<100001x8xf32, #tpu.memory_space<hbm>>
      tpu.enqueue_indirect_dma source(%dma_start3A_122 : memref<100001x8xf32, #tpu.memory_space<hbm>>) target(%dma_start3A_118 : memref<40x8xf32, #tpu.memory_space<vmem>>) offsets(%dma_start3A_119 : memref<40xi32, #tpu.memory_space<vmem>>) semaphore(%arg19 : memref<!tpu.dma_semaphore, #tpu.memory_space<semaphore_mem>>)
      %mul3A_123 = arith.constant 200 : i32
      %mul3A_124 = arith.muli %scan3A_55, %mul3A_123 : i32
      %add3A_125 = arith.constant 120 : i32
      %add3A_126 = arith.addi %mul3A_124, %add3A_125 : i32
      %dma_start3A_127 = arith.constant 3 : i32
      %dma_start3A_128 = arith.constant 0 : i32
      %dma_start3A_129 = arith.constant 0 : i32
      %dma_start3A_130 = tpu.memref_slice %arg12[%dma_start3A_127, %dma_start3A_128, %dma_start3A_129] : memref<5x40x160xf32, #tpu.memory_space<vmem>> -> memref<1x40x160xf32, #tpu.memory_space<vmem>>
      %dma_start3A_131 = tpu.memref_squeeze %dma_start3A_130 : memref<1x40x160xf32, #tpu.memory_space<vmem>> -> memref<40x160xf32, #tpu.memory_space<vmem>>
      %dma_start3A_132 = tpu.memref_slice %arg10[%add3A_126] : memref<6400xi32, #tpu.memory_space<vmem>> -> memref<40xi32, #tpu.memory_space<vmem>>
      %dma_start3A_133 = arith.constant 0 : i32
      %dma_start3A_134 = arith.constant 0 : i32
      %dma_start3A_135 = tpu.memref_slice %arg4[%dma_start3A_133, %dma_start3A_134] : memref<100001x160xf32, #tpu.memory_space<hbm>> -> memref<100001x160xf32, #tpu.memory_space<hbm>>
      tpu.enqueue_indirect_dma source(%dma_start3A_135 : memref<100001x160xf32, #tpu.memory_space<hbm>>) target(%dma_start3A_131 : memref<40x160xf32, #tpu.memory_space<vmem>>) offsets(%dma_start3A_132 : memref<40xi32, #tpu.memory_space<vmem>>) semaphore(%arg19 : memref<!tpu.dma_semaphore, #tpu.memory_space<semaphore_mem>>)
      %dma_start3A_136 = arith.constant 3 : i32
      %dma_start3A_137 = arith.constant 0 : i32
      %dma_start3A_138 = arith.constant 0 : i32
      %dma_start3A_139 = tpu.memref_slice %arg13[%dma_start3A_136, %dma_start3A_137, %dma_start3A_138] : memref<5x40x8xf32, #tpu.memory_space<vmem>> -> memref<1x40x8xf32, #tpu.memory_space<vmem>>
      %dma_start3A_140 = tpu.memref_squeeze %dma_start3A_139 : memref<1x40x8xf32, #tpu.memory_space<vmem>> -> memref<40x8xf32, #tpu.memory_space<vmem>>
      %dma_start3A_141 = tpu.memref_slice %arg10[%add3A_126] : memref<6400xi32, #tpu.memory_space<vmem>> -> memref<40xi32, #tpu.memory_space<vmem>>
      %dma_start3A_142 = arith.constant 0 : i32
      %dma_start3A_143 = arith.constant 0 : i32
      %dma_start3A_144 = tpu.memref_slice %arg5[%dma_start3A_142, %dma_start3A_143] : memref<100001x8xf32, #tpu.memory_space<hbm>> -> memref<100001x8xf32, #tpu.memory_space<hbm>>
      tpu.enqueue_indirect_dma source(%dma_start3A_144 : memref<100001x8xf32, #tpu.memory_space<hbm>>) target(%dma_start3A_140 : memref<40x8xf32, #tpu.memory_space<vmem>>) offsets(%dma_start3A_141 : memref<40xi32, #tpu.memory_space<vmem>>) semaphore(%arg19 : memref<!tpu.dma_semaphore, #tpu.memory_space<semaphore_mem>>)
      %mul3A_145 = arith.constant 200 : i32
      %mul3A_146 = arith.muli %scan3A_55, %mul3A_145 : i32
      %add3A_147 = arith.constant 160 : i32
      %add3A_148 = arith.addi %mul3A_146, %add3A_147 : i32
      %dma_start3A_149 = arith.constant 4 : i32
      %dma_start3A_150 = arith.constant 0 : i32
      %dma_start3A_151 = arith.constant 0 : i32
      %dma_start3A_152 = tpu.memref_slice %arg12[%dma_start3A_149, %dma_start3A_150, %dma_start3A_151] : memref<5x40x160xf32, #tpu.memory_space<vmem>> -> memref<1x40x160xf32, #tpu.memory_space<vmem>>
      %dma_start3A_153 = tpu.memref_squeeze %dma_start3A_152 : memref<1x40x160xf32, #tpu.memory_space<vmem>> -> memref<40x160xf32, #tpu.memory_space<vmem>>
      %dma_start3A_154 = tpu.memref_slice %arg10[%add3A_148] : memref<6400xi32, #tpu.memory_space<vmem>> -> memref<40xi32, #tpu.memory_space<vmem>>
      %dma_start3A_155 = arith.constant 0 : i32
      %dma_start3A_156 = arith.constant 0 : i32
      %dma_start3A_157 = tpu.memref_slice %arg4[%dma_start3A_155, %dma_start3A_156] : memref<100001x160xf32, #tpu.memory_space<hbm>> -> memref<100001x160xf32, #tpu.memory_space<hbm>>
      tpu.enqueue_indirect_dma source(%dma_start3A_157 : memref<100001x160xf32, #tpu.memory_space<hbm>>) target(%dma_start3A_153 : memref<40x160xf32, #tpu.memory_space<vmem>>) offsets(%dma_start3A_154 : memref<40xi32, #tpu.memory_space<vmem>>) semaphore(%arg19 : memref<!tpu.dma_semaphore, #tpu.memory_space<semaphore_mem>>)
      %dma_start3A_158 = arith.constant 4 : i32
      %dma_start3A_159 = arith.constant 0 : i32
      %dma_start3A_160 = arith.constant 0 : i32
      %dma_start3A_161 = tpu.memref_slice %arg13[%dma_start3A_158, %dma_start3A_159, %dma_start3A_160] : memref<5x40x8xf32, #tpu.memory_space<vmem>> -> memref<1x40x8xf32, #tpu.memory_space<vmem>>
      %dma_start3A_162 = tpu.memref_squeeze %dma_start3A_161 : memref<1x40x8xf32, #tpu.memory_space<vmem>> -> memref<40x8xf32, #tpu.memory_space<vmem>>
      %dma_start3A_163 = tpu.memref_slice %arg10[%add3A_148] : memref<6400xi32, #tpu.memory_space<vmem>> -> memref<40xi32, #tpu.memory_space<vmem>>
      %dma_start3A_164 = arith.constant 0 : i32
      %dma_start3A_165 = arith.constant 0 : i32
      %dma_start3A_166 = tpu.memref_slice %arg5[%dma_start3A_164, %dma_start3A_165] : memref<100001x8xf32, #tpu.memory_space<hbm>> -> memref<100001x8xf32, #tpu.memory_space<hbm>>
      tpu.enqueue_indirect_dma source(%dma_start3A_166 : memref<100001x8xf32, #tpu.memory_space<hbm>>) target(%dma_start3A_162 : memref<40x8xf32, #tpu.memory_space<vmem>>) offsets(%dma_start3A_163 : memref<40xi32, #tpu.memory_space<vmem>>) semaphore(%arg19 : memref<!tpu.dma_semaphore, #tpu.memory_space<semaphore_mem>>)
      %dma_wait3A_167 = arith.constant 0 : i32
      %dma_wait3A_168 = arith.constant 0 : i32
      %dma_wait3A_169 = arith.constant 0 : i32
      %dma_wait3A_170 = tpu.memref_slice %arg12[%dma_wait3A_167, %dma_wait3A_168, %dma_wait3A_169] : memref<5x40x160xf32, #tpu.memory_space<vmem>> -> memref<1x40x160xf32, #tpu.memory_space<vmem>>
      %dma_wait3A_171 = tpu.memref_squeeze %dma_wait3A_170 : memref<1x40x160xf32, #tpu.memory_space<vmem>> -> memref<40x160xf32, #tpu.memory_space<vmem>>
      %dma_wait3A_172 = tpu.memref_slice %arg10[%add3A_60] : memref<6400xi32, #tpu.memory_space<vmem>> -> memref<40xi32, #tpu.memory_space<vmem>>
      %dma_wait3A_173 = arith.constant 0 : i32
      %dma_wait3A_174 = arith.constant 0 : i32
      %dma_wait3A_175 = tpu.memref_slice %arg4[%dma_wait3A_173, %dma_wait3A_174] : memref<100001x160xf32, #tpu.memory_space<hbm>> -> memref<100001x160xf32, #tpu.memory_space<hbm>>
      tpu.wait_indirect_dma semaphore(%arg19 : memref<!tpu.dma_semaphore, #tpu.memory_space<semaphore_mem>>) src(%dma_wait3A_175 : memref<100001x160xf32, #tpu.memory_space<hbm>>) dst(%dma_wait3A_171 : memref<40x160xf32, #tpu.memory_space<vmem>>)
      %dma_wait3A_176 = arith.constant 0 : i32
      %dma_wait3A_177 = arith.constant 0 : i32
      %dma_wait3A_178 = arith.constant 0 : i32
      %dma_wait3A_179 = tpu.memref_slice %arg13[%dma_wait3A_176, %dma_wait3A_177, %dma_wait3A_178] : memref<5x40x8xf32, #tpu.memory_space<vmem>> -> memref<1x40x8xf32, #tpu.memory_space<vmem>>
      %dma_wait3A_180 = tpu.memref_squeeze %dma_wait3A_179 : memref<1x40x8xf32, #tpu.memory_space<vmem>> -> memref<40x8xf32, #tpu.memory_space<vmem>>
      %dma_wait3A_181 = tpu.memref_slice %arg10[%add3A_60] : memref<6400xi32, #tpu.memory_space<vmem>> -> memref<40xi32, #tpu.memory_space<vmem>>
      %dma_wait3A_182 = arith.constant 0 : i32
      %dma_wait3A_183 = arith.constant 0 : i32
      %dma_wait3A_184 = tpu.memref_slice %arg5[%dma_wait3A_182, %dma_wait3A_183] : memref<100001x8xf32, #tpu.memory_space<hbm>> -> memref<100001x8xf32, #tpu.memory_space<hbm>>
      tpu.wait_indirect_dma semaphore(%arg19 : memref<!tpu.dma_semaphore, #tpu.memory_space<semaphore_mem>>) src(%dma_wait3A_184 : memref<100001x8xf32, #tpu.memory_space<hbm>>) dst(%dma_wait3A_180 : memref<40x8xf32, #tpu.memory_space<vmem>>)
      %dma_wait3A_185 = arith.constant 1 : i32
      %dma_wait3A_186 = arith.constant 0 : i32
      %dma_wait3A_187 = arith.constant 0 : i32
      %dma_wait3A_188 = tpu.memref_slice %arg12[%dma_wait3A_185, %dma_wait3A_186, %dma_wait3A_187] : memref<5x40x160xf32, #tpu.memory_space<vmem>> -> memref<1x40x160xf32, #tpu.memory_space<vmem>>
      %dma_wait3A_189 = tpu.memref_squeeze %dma_wait3A_188 : memref<1x40x160xf32, #tpu.memory_space<vmem>> -> memref<40x160xf32, #tpu.memory_space<vmem>>
      %dma_wait3A_190 = tpu.memref_slice %arg10[%add3A_82] : memref<6400xi32, #tpu.memory_space<vmem>> -> memref<40xi32, #tpu.memory_space<vmem>>
      %dma_wait3A_191 = arith.constant 0 : i32
      %dma_wait3A_192 = arith.constant 0 : i32
      %dma_wait3A_193 = tpu.memref_slice %arg4[%dma_wait3A_191, %dma_wait3A_192] : memref<100001x160xf32, #tpu.memory_space<hbm>> -> memref<100001x160xf32, #tpu.memory_space<hbm>>
      tpu.wait_indirect_dma semaphore(%arg19 : memref<!tpu.dma_semaphore, #tpu.memory_space<semaphore_mem>>) src(%dma_wait3A_193 : memref<100001x160xf32, #tpu.memory_space<hbm>>) dst(%dma_wait3A_189 : memref<40x160xf32, #tpu.memory_space<vmem>>)
      %dma_wait3A_194 = arith.constant 1 : i32
      %dma_wait3A_195 = arith.constant 0 : i32
      %dma_wait3A_196 = arith.constant 0 : i32
      %dma_wait3A_197 = tpu.memref_slice %arg13[%dma_wait3A_194, %dma_wait3A_195, %dma_wait3A_196] : memref<5x40x8xf32, #tpu.memory_space<vmem>> -> memref<1x40x8xf32, #tpu.memory_space<vmem>>
      %dma_wait3A_198 = tpu.memref_squeeze %dma_wait3A_197 : memref<1x40x8xf32, #tpu.memory_space<vmem>> -> memref<40x8xf32, #tpu.memory_space<vmem>>
      %dma_wait3A_199 = tpu.memref_slice %arg10[%add3A_82] : memref<6400xi32, #tpu.memory_space<vmem>> -> memref<40xi32, #tpu.memory_space<vmem>>
      %dma_wait3A_200 = arith.constant 0 : i32
      %dma_wait3A_201 = arith.constant 0 : i32
      %dma_wait3A_202 = tpu.memref_slice %arg5[%dma_wait3A_200, %dma_wait3A_201] : memref<100001x8xf32, #tpu.memory_space<hbm>> -> memref<100001x8xf32, #tpu.memory_space<hbm>>
      tpu.wait_indirect_dma semaphore(%arg19 : memref<!tpu.dma_semaphore, #tpu.memory_space<semaphore_mem>>) src(%dma_wait3A_202 : memref<100001x8xf32, #tpu.memory_space<hbm>>) dst(%dma_wait3A_198 : memref<40x8xf32, #tpu.memory_space<vmem>>)
      %dma_wait3A_203 = arith.constant 2 : i32
      %dma_wait3A_204 = arith.constant 0 : i32
      %dma_wait3A_205 = arith.constant 0 : i32
      %dma_wait3A_206 = tpu.memref_slice %arg12[%dma_wait3A_203, %dma_wait3A_204, %dma_wait3A_205] : memref<5x40x160xf32, #tpu.memory_space<vmem>> -> memref<1x40x160xf32, #tpu.memory_space<vmem>>
      %dma_wait3A_207 = tpu.memref_squeeze %dma_wait3A_206 : memref<1x40x160xf32, #tpu.memory_space<vmem>> -> memref<40x160xf32, #tpu.memory_space<vmem>>
      %dma_wait3A_208 = tpu.memref_slice %arg10[%add3A_104] : memref<6400xi32, #tpu.memory_space<vmem>> -> memref<40xi32, #tpu.memory_space<vmem>>
      %dma_wait3A_209 = arith.constant 0 : i32
      %dma_wait3A_210 = arith.constant 0 : i32
      %dma_wait3A_211 = tpu.memref_slice %arg4[%dma_wait3A_209, %dma_wait3A_210] : memref<100001x160xf32, #tpu.memory_space<hbm>> -> memref<100001x160xf32, #tpu.memory_space<hbm>>
      tpu.wait_indirect_dma semaphore(%arg19 : memref<!tpu.dma_semaphore, #tpu.memory_space<semaphore_mem>>) src(%dma_wait3A_211 : memref<100001x160xf32, #tpu.memory_space<hbm>>) dst(%dma_wait3A_207 : memref<40x160xf32, #tpu.memory_space<vmem>>)
      %dma_wait3A_212 = arith.constant 2 : i32
      %dma_wait3A_213 = arith.constant 0 : i32
      %dma_wait3A_214 = arith.constant 0 : i32
      %dma_wait3A_215 = tpu.memref_slice %arg13[%dma_wait3A_212, %dma_wait3A_213, %dma_wait3A_214] : memref<5x40x8xf32, #tpu.memory_space<vmem>> -> memref<1x40x8xf32, #tpu.memory_space<vmem>>
      %dma_wait3A_216 = tpu.memref_squeeze %dma_wait3A_215 : memref<1x40x8xf32, #tpu.memory_space<vmem>> -> memref<40x8xf32, #tpu.memory_space<vmem>>
      %dma_wait3A_217 = tpu.memref_slice %arg10[%add3A_104] : memref<6400xi32, #tpu.memory_space<vmem>> -> memref<40xi32, #tpu.memory_space<vmem>>
      %dma_wait3A_218 = arith.constant 0 : i32
      %dma_wait3A_219 = arith.constant 0 : i32
      %dma_wait3A_220 = tpu.memref_slice %arg5[%dma_wait3A_218, %dma_wait3A_219] : memref<100001x8xf32, #tpu.memory_space<hbm>> -> memref<100001x8xf32, #tpu.memory_space<hbm>>
      tpu.wait_indirect_dma semaphore(%arg19 : memref<!tpu.dma_semaphore, #tpu.memory_space<semaphore_mem>>) src(%dma_wait3A_220 : memref<100001x8xf32, #tpu.memory_space<hbm>>) dst(%dma_wait3A_216 : memref<40x8xf32, #tpu.memory_space<vmem>>)
      %dma_wait3A_221 = arith.constant 3 : i32
      %dma_wait3A_222 = arith.constant 0 : i32
      %dma_wait3A_223 = arith.constant 0 : i32
      %dma_wait3A_224 = tpu.memref_slice %arg12[%dma_wait3A_221, %dma_wait3A_222, %dma_wait3A_223] : memref<5x40x160xf32, #tpu.memory_space<vmem>> -> memref<1x40x160xf32, #tpu.memory_space<vmem>>
      %dma_wait3A_225 = tpu.memref_squeeze %dma_wait3A_224 : memref<1x40x160xf32, #tpu.memory_space<vmem>> -> memref<40x160xf32, #tpu.memory_space<vmem>>
      %dma_wait3A_226 = tpu.memref_slice %arg10[%add3A_126] : memref<6400xi32, #tpu.memory_space<vmem>> -> memref<40xi32, #tpu.memory_space<vmem>>
      %dma_wait3A_227 = arith.constant 0 : i32
      %dma_wait3A_228 = arith.constant 0 : i32
      %dma_wait3A_229 = tpu.memref_slice %arg4[%dma_wait3A_227, %dma_wait3A_228] : memref<100001x160xf32, #tpu.memory_space<hbm>> -> memref<100001x160xf32, #tpu.memory_space<hbm>>
      tpu.wait_indirect_dma semaphore(%arg19 : memref<!tpu.dma_semaphore, #tpu.memory_space<semaphore_mem>>) src(%dma_wait3A_229 : memref<100001x160xf32, #tpu.memory_space<hbm>>) dst(%dma_wait3A_225 : memref<40x160xf32, #tpu.memory_space<vmem>>)
      %dma_wait3A_230 = arith.constant 3 : i32
      %dma_wait3A_231 = arith.constant 0 : i32
      %dma_wait3A_232 = arith.constant 0 : i32
      %dma_wait3A_233 = tpu.memref_slice %arg13[%dma_wait3A_230, %dma_wait3A_231, %dma_wait3A_232] : memref<5x40x8xf32, #tpu.memory_space<vmem>> -> memref<1x40x8xf32, #tpu.memory_space<vmem>>
      %dma_wait3A_234 = tpu.memref_squeeze %dma_wait3A_233 : memref<1x40x8xf32, #tpu.memory_space<vmem>> -> memref<40x8xf32, #tpu.memory_space<vmem>>
      %dma_wait3A_235 = tpu.memref_slice %arg10[%add3A_126] : memref<6400xi32, #tpu.memory_space<vmem>> -> memref<40xi32, #tpu.memory_space<vmem>>
      %dma_wait3A_236 = arith.constant 0 : i32
      %dma_wait3A_237 = arith.constant 0 : i32
      %dma_wait3A_238 = tpu.memref_slice %arg5[%dma_wait3A_236, %dma_wait3A_237] : memref<100001x8xf32, #tpu.memory_space<hbm>> -> memref<100001x8xf32, #tpu.memory_space<hbm>>
      tpu.wait_indirect_dma semaphore(%arg19 : memref<!tpu.dma_semaphore, #tpu.memory_space<semaphore_mem>>) src(%dma_wait3A_238 : memref<100001x8xf32, #tpu.memory_space<hbm>>) dst(%dma_wait3A_234 : memref<40x8xf32, #tpu.memory_space<vmem>>)
      %dma_wait3A_239 = arith.constant 4 : i32
      %dma_wait3A_240 = arith.constant 0 : i32
      %dma_wait3A_241 = arith.constant 0 : i32
      %dma_wait3A_242 = tpu.memref_slice %arg12[%dma_wait3A_239, %dma_wait3A_240, %dma_wait3A_241] : memref<5x40x160xf32, #tpu.memory_space<vmem>> -> memref<1x40x160xf32, #tpu.memory_space<vmem>>
      %dma_wait3A_243 = tpu.memref_squeeze %dma_wait3A_242 : memref<1x40x160xf32, #tpu.memory_space<vmem>> -> memref<40x160xf32, #tpu.memory_space<vmem>>
      %dma_wait3A_244 = tpu.memref_slice %arg10[%add3A_148] : memref<6400xi32, #tpu.memory_space<vmem>> -> memref<40xi32, #tpu.memory_space<vmem>>
      %dma_wait3A_245 = arith.constant 0 : i32
      %dma_wait3A_246 = arith.constant 0 : i32
      %dma_wait3A_247 = tpu.memref_slice %arg4[%dma_wait3A_245, %dma_wait3A_246] : memref<100001x160xf32, #tpu.memory_space<hbm>> -> memref<100001x160xf32, #tpu.memory_space<hbm>>
      tpu.wait_indirect_dma semaphore(%arg19 : memref<!tpu.dma_semaphore, #tpu.memory_space<semaphore_mem>>) src(%dma_wait3A_247 : memref<100001x160xf32, #tpu.memory_space<hbm>>) dst(%dma_wait3A_243 : memref<40x160xf32, #tpu.memory_space<vmem>>)
      %dma_wait3A_248 = arith.constant 4 : i32
      %dma_wait3A_249 = arith.constant 0 : i32
      %dma_wait3A_250 = arith.constant 0 : i32
      %dma_wait3A_251 = tpu.memref_slice %arg13[%dma_wait3A_248, %dma_wait3A_249, %dma_wait3A_250] : memref<5x40x8xf32, #tpu.memory_space<vmem>> -> memref<1x40x8xf32, #tpu.memory_space<vmem>>
      %dma_wait3A_252 = tpu.memref_squeeze %dma_wait3A_251 : memref<1x40x8xf32, #tpu.memory_space<vmem>> -> memref<40x8xf32, #tpu.memory_space<vmem>>
      %dma_wait3A_253 = tpu.memref_slice %arg10[%add3A_148] : memref<6400xi32, #tpu.memory_space<vmem>> -> memref<40xi32, #tpu.memory_space<vmem>>
      %dma_wait3A_254 = arith.constant 0 : i32
      %dma_wait3A_255 = arith.constant 0 : i32
      %dma_wait3A_256 = tpu.memref_slice %arg5[%dma_wait3A_254, %dma_wait3A_255] : memref<100001x8xf32, #tpu.memory_space<hbm>> -> memref<100001x8xf32, #tpu.memory_space<hbm>>
      tpu.wait_indirect_dma semaphore(%arg19 : memref<!tpu.dma_semaphore, #tpu.memory_space<semaphore_mem>>) src(%dma_wait3A_256 : memref<100001x8xf32, #tpu.memory_space<hbm>>) dst(%dma_wait3A_252 : memref<40x8xf32, #tpu.memory_space<vmem>>)
      %broadcast_in_dim3A_257 = arith.constant 0.000000e+00 : f32
      %broadcast_in_dim3A_258 = vector.broadcast %broadcast_in_dim3A_257 : f32 to vector<16xf32>
      %broadcast_in_dim3A_259 = arith.constant 0.000000e+00 : f32
      %broadcast_in_dim3A_260 = vector.broadcast %broadcast_in_dim3A_259 : f32 to vector<16xf32>
      %broadcast_in_dim3A_261 = arith.constant 0.000000e+00 : f32
      %broadcast_in_dim3A_262 = vector.broadcast %broadcast_in_dim3A_261 : f32 to vector<16xf32>
      %broadcast_in_dim3A_263 = arith.constant 0.000000e+00 : f32
      %broadcast_in_dim3A_264 = vector.broadcast %broadcast_in_dim3A_263 : f32 to vector<16xf32>
      %broadcast_in_dim3A_265 = arith.constant 0.000000e+00 : f32
      %broadcast_in_dim3A_266 = vector.broadcast %broadcast_in_dim3A_265 : f32 to vector<16xf32>
      %broadcast_in_dim3A_267 = arith.constant 0.000000e+00 : f32
      %broadcast_in_dim3A_268 = vector.broadcast %broadcast_in_dim3A_267 : f32 to vector<16xf32>
      %broadcast_in_dim3A_269 = arith.constant 0.000000e+00 : f32
      %broadcast_in_dim3A_270 = vector.broadcast %broadcast_in_dim3A_269 : f32 to vector<16xf32>
      %broadcast_in_dim3A_271 = arith.constant 0.000000e+00 : f32
      %broadcast_in_dim3A_272 = vector.broadcast %broadcast_in_dim3A_271 : f32 to vector<16xf32>
      %broadcast_in_dim3A_273 = arith.constant 0.000000e+00 : f32
      %broadcast_in_dim3A_274 = vector.broadcast %broadcast_in_dim3A_273 : f32 to vector<16xf32>
      %broadcast_in_dim3A_275 = arith.constant 0.000000e+00 : f32
      %broadcast_in_dim3A_276 = vector.broadcast %broadcast_in_dim3A_275 : f32 to vector<16xf32>
      %scan3A_277 = arith.constant 0 : i32
      %scan3A_278 = arith.constant 40 : i32
      %scan3A_279 = arith.addi %scan3A_277, %scan3A_278 : i32
      %scan3A_280 = arith.constant 1 : i32
      %scan3A_281:10 = scf.for %scan3A_403 = %scan3A_277 to %scan3A_279 step %scan3A_280 iter_args(%scan3A_404 = %broadcast_in_dim3A_258, %scan3A_405 = %broadcast_in_dim3A_260, %scan3A_406 = %broadcast_in_dim3A_262, %scan3A_407 = %broadcast_in_dim3A_264, %scan3A_408 = %broadcast_in_dim3A_266, %scan3A_409 = %broadcast_in_dim3A_268, %scan3A_410 = %broadcast_in_dim3A_270, %scan3A_411 = %broadcast_in_dim3A_272, %scan3A_412 = %broadcast_in_dim3A_274, %scan3A_413 = %broadcast_in_dim3A_276) -> (vector<16xf32>, vector<16xf32>, vector<16xf32>, vector<16xf32>, vector<16xf32>, vector<16xf32>, vector<16xf32>, vector<16xf32>, vector<16xf32>, vector<16xf32>)  : i32 {
        %get3A_414 = arith.constant 0 : i32
        %get3A_415 = arith.index_cast %get3A_414 : i32 to index
        %get3A_416 = arith.index_cast %scan3A_403 : i32 to index
        %get3A_417 = arith.constant 0 : index
        %get3A_418 = tpu.vector_load %arg12[%get3A_415, %get3A_416, %get3A_417] {strides = array<i32>} : memref<5x40x160xf32, #tpu.memory_space<vmem>>, vector<16xf32>,
        %add3A_419 = arith.addf %scan3A_404, %get3A_418 : vector<16xf32>
        %get3A_420 = arith.constant 0 : i32
        %get3A_421 = arith.index_cast %get3A_420 : i32 to index
        %get3A_422 = arith.index_cast %scan3A_403 : i32 to index
        %get3A_423 = arith.constant 16 : index
        %get3A_424 = tpu.vector_load %arg12[%get3A_421, %get3A_422, %get3A_423] {strides = array<i32>} : memref<5x40x160xf32, #tpu.memory_space<vmem>>, vector<16xf32>,
        %add3A_425 = arith.addf %scan3A_405, %get3A_424 : vector<16xf32>
        %get3A_426 = arith.constant 0 : i32
        %get3A_427 = arith.index_cast %get3A_426 : i32 to index
        %get3A_428 = arith.index_cast %scan3A_403 : i32 to index
        %get3A_429 = arith.constant 32 : index
        %get3A_430 = tpu.vector_load %arg12[%get3A_427, %get3A_428, %get3A_429] {strides = array<i32>} : memref<5x40x160xf32, #tpu.memory_space<vmem>>, vector<16xf32>,
        %add3A_431 = arith.addf %scan3A_406, %get3A_430 : vector<16xf32>
        %get3A_432 = arith.constant 0 : i32
        %get3A_433 = arith.index_cast %get3A_432 : i32 to index
        %get3A_434 = arith.index_cast %scan3A_403 : i32 to index
        %get3A_435 = arith.constant 48 : index
        %get3A_436 = tpu.vector_load %arg12[%get3A_433, %get3A_434, %get3A_435] {strides = array<i32>} : memref<5x40x160xf32, #tpu.memory_space<vmem>>, vector<16xf32>,
        %add3A_437 = arith.addf %scan3A_407, %get3A_436 : vector<16xf32>
        %get3A_438 = arith.constant 0 : i32
        %get3A_439 = arith.index_cast %get3A_438 : i32 to index
        %get3A_440 = arith.index_cast %scan3A_403 : i32 to index
        %get3A_441 = arith.constant 64 : index
        %get3A_442 = tpu.vector_load %arg12[%get3A_439, %get3A_440, %get3A_441] {strides = array<i32>} : memref<5x40x160xf32, #tpu.memory_space<vmem>>, vector<16xf32>,
        %add3A_443 = arith.addf %scan3A_408, %get3A_442 : vector<16xf32>
        %get3A_444 = arith.constant 0 : i32
        %get3A_445 = arith.index_cast %get3A_444 : i32 to index
        %get3A_446 = arith.index_cast %scan3A_403 : i32 to index
        %get3A_447 = arith.constant 80 : index
        %get3A_448 = tpu.vector_load %arg12[%get3A_445, %get3A_446, %get3A_447] {strides = array<i32>} : memref<5x40x160xf32, #tpu.memory_space<vmem>>, vector<16xf32>,
        %add3A_449 = arith.addf %scan3A_409, %get3A_448 : vector<16xf32>
        %get3A_450 = arith.constant 0 : i32
        %get3A_451 = arith.index_cast %get3A_450 : i32 to index
        %get3A_452 = arith.index_cast %scan3A_403 : i32 to index
        %get3A_453 = arith.constant 96 : index
        %get3A_454 = tpu.vector_load %arg12[%get3A_451, %get3A_452, %get3A_453] {strides = array<i32>} : memref<5x40x160xf32, #tpu.memory_space<vmem>>, vector<16xf32>,
        %add3A_455 = arith.addf %scan3A_410, %get3A_454 : vector<16xf32>
        %get3A_456 = arith.constant 0 : i32
        %get3A_457 = arith.index_cast %get3A_456 : i32 to index
        %get3A_458 = arith.index_cast %scan3A_403 : i32 to index
        %get3A_459 = arith.constant 112 : index
        %get3A_460 = tpu.vector_load %arg12[%get3A_457, %get3A_458, %get3A_459] {strides = array<i32>} : memref<5x40x160xf32, #tpu.memory_space<vmem>>, vector<16xf32>,
        %add3A_461 = arith.addf %scan3A_411, %get3A_460 : vector<16xf32>
        %get3A_462 = arith.constant 0 : i32
        %get3A_463 = arith.index_cast %get3A_462 : i32 to index
        %get3A_464 = arith.index_cast %scan3A_403 : i32 to index
        %get3A_465 = arith.constant 128 : index
        %get3A_466 = tpu.vector_load %arg12[%get3A_463, %get3A_464, %get3A_465] {strides = array<i32>} : memref<5x40x160xf32, #tpu.memory_space<vmem>>, vector<16xf32>,
        %add3A_467 = arith.addf %scan3A_412, %get3A_466 : vector<16xf32>
        %get3A_468 = arith.constant 0 : i32
        %get3A_469 = arith.index_cast %get3A_468 : i32 to index
        %get3A_470 = arith.index_cast %scan3A_403 : i32 to index
        %get3A_471 = arith.constant 144 : index
        %get3A_472 = tpu.vector_load %arg12[%get3A_469, %get3A_470, %get3A_471] {strides = array<i32>} : memref<5x40x160xf32, #tpu.memory_space<vmem>>, vector<16xf32>,
        %add3A_473 = arith.addf %scan3A_413, %get3A_472 : vector<16xf32>
        scf.yield %add3A_419, %add3A_425, %add3A_431, %add3A_437, %add3A_443, %add3A_449, %add3A_455, %add3A_461, %add3A_467, %add3A_473 : vector<16xf32>, vector<16xf32>, vector<16xf32>, vector<16xf32>, vector<16xf32>, vector<16xf32>, vector<16xf32>, vector<16xf32>, vector<16xf32>, vector<16xf32>
      }
      %scan3A_282 = arith.constant 40 : i32
      %scan3A_283 = arith.constant 0 : i32
      %scan3A_284 = arith.constant 40 : i32
      %scan3A_285 = arith.addi %scan3A_283, %scan3A_284 : i32
      %scan3A_286 = arith.constant 1 : i32
      %scan3A_287:10 = scf.for %scan3A_403 = %scan3A_283 to %scan3A_285 step %scan3A_286 iter_args(%scan3A_404 = %scan3A_281#0, %scan3A_405 = %scan3A_281#1, %scan3A_406 = %scan3A_281#2, %scan3A_407 = %scan3A_281#3, %scan3A_408 = %scan3A_281#4, %scan3A_409 = %scan3A_281#5, %scan3A_410 = %scan3A_281#6, %scan3A_411 = %scan3A_281#7, %scan3A_412 = %scan3A_281#8, %scan3A_413 = %scan3A_281#9) -> (vector<16xf32>, vector<16xf32>, vector<16xf32>, vector<16xf32>, vector<16xf32>, vector<16xf32>, vector<16xf32>, vector<16xf32>, vector<16xf32>, vector<16xf32>)  : i32 {
        %get3A_414 = arith.constant 1 : i32
        %get3A_415 = arith.index_cast %get3A_414 : i32 to index
        %get3A_416 = arith.index_cast %scan3A_403 : i32 to index
        %get3A_417 = arith.constant 0 : index
        %get3A_418 = tpu.vector_load %arg12[%get3A_415, %get3A_416, %get3A_417] {strides = array<i32>} : memref<5x40x160xf32, #tpu.memory_space<vmem>>, vector<16xf32>,
        %add3A_419 = arith.addf %scan3A_404, %get3A_418 : vector<16xf32>
        %get3A_420 = arith.constant 1 : i32
        %get3A_421 = arith.index_cast %get3A_420 : i32 to index
        %get3A_422 = arith.index_cast %scan3A_403 : i32 to index
        %get3A_423 = arith.constant 16 : index
        %get3A_424 = tpu.vector_load %arg12[%get3A_421, %get3A_422, %get3A_423] {strides = array<i32>} : memref<5x40x160xf32, #tpu.memory_space<vmem>>, vector<16xf32>,
        %add3A_425 = arith.addf %scan3A_405, %get3A_424 : vector<16xf32>
        %get3A_426 = arith.constant 1 : i32
        %get3A_427 = arith.index_cast %get3A_426 : i32 to index
        %get3A_428 = arith.index_cast %scan3A_403 : i32 to index
        %get3A_429 = arith.constant 32 : index
        %get3A_430 = tpu.vector_load %arg12[%get3A_427, %get3A_428, %get3A_429] {strides = array<i32>} : memref<5x40x160xf32, #tpu.memory_space<vmem>>, vector<16xf32>,
        %add3A_431 = arith.addf %scan3A_406, %get3A_430 : vector<16xf32>
        %get3A_432 = arith.constant 1 : i32
        %get3A_433 = arith.index_cast %get3A_432 : i32 to index
        %get3A_434 = arith.index_cast %scan3A_403 : i32 to index
        %get3A_435 = arith.constant 48 : index
        %get3A_436 = tpu.vector_load %arg12[%get3A_433, %get3A_434, %get3A_435] {strides = array<i32>} : memref<5x40x160xf32, #tpu.memory_space<vmem>>, vector<16xf32>,
        %add3A_437 = arith.addf %scan3A_407, %get3A_436 : vector<16xf32>
        %get3A_438 = arith.constant 1 : i32
        %get3A_439 = arith.index_cast %get3A_438 : i32 to index
        %get3A_440 = arith.index_cast %scan3A_403 : i32 to index
        %get3A_441 = arith.constant 64 : index
        %get3A_442 = tpu.vector_load %arg12[%get3A_439, %get3A_440, %get3A_441] {strides = array<i32>} : memref<5x40x160xf32, #tpu.memory_space<vmem>>, vector<16xf32>,
        %add3A_443 = arith.addf %scan3A_408, %get3A_442 : vector<16xf32>
        %get3A_444 = arith.constant 1 : i32
        %get3A_445 = arith.index_cast %get3A_444 : i32 to index
        %get3A_446 = arith.index_cast %scan3A_403 : i32 to index
        %get3A_447 = arith.constant 80 : index
        %get3A_448 = tpu.vector_load %arg12[%get3A_445, %get3A_446, %get3A_447] {strides = array<i32>} : memref<5x40x160xf32, #tpu.memory_space<vmem>>, vector<16xf32>,
        %add3A_449 = arith.addf %scan3A_409, %get3A_448 : vector<16xf32>
        %get3A_450 = arith.constant 1 : i32
        %get3A_451 = arith.index_cast %get3A_450 : i32 to index
        %get3A_452 = arith.index_cast %scan3A_403 : i32 to index
        %get3A_453 = arith.constant 96 : index
        %get3A_454 = tpu.vector_load %arg12[%get3A_451, %get3A_452, %get3A_453] {strides = array<i32>} : memref<5x40x160xf32, #tpu.memory_space<vmem>>, vector<16xf32>,
        %add3A_455 = arith.addf %scan3A_410, %get3A_454 : vector<16xf32>
        %get3A_456 = arith.constant 1 : i32
        %get3A_457 = arith.index_cast %get3A_456 : i32 to index
        %get3A_458 = arith.index_cast %scan3A_403 : i32 to index
        %get3A_459 = arith.constant 112 : index
        %get3A_460 = tpu.vector_load %arg12[%get3A_457, %get3A_458, %get3A_459] {strides = array<i32>} : memref<5x40x160xf32, #tpu.memory_space<vmem>>, vector<16xf32>,
        %add3A_461 = arith.addf %scan3A_411, %get3A_460 : vector<16xf32>
        %get3A_462 = arith.constant 1 : i32
        %get3A_463 = arith.index_cast %get3A_462 : i32 to index
        %get3A_464 = arith.index_cast %scan3A_403 : i32 to index
        %get3A_465 = arith.constant 128 : index
        %get3A_466 = tpu.vector_load %arg12[%get3A_463, %get3A_464, %get3A_465] {strides = array<i32>} : memref<5x40x160xf32, #tpu.memory_space<vmem>>, vector<16xf32>,
        %add3A_467 = arith.addf %scan3A_412, %get3A_466 : vector<16xf32>
        %get3A_468 = arith.constant 1 : i32
        %get3A_469 = arith.index_cast %get3A_468 : i32 to index
        %get3A_470 = arith.index_cast %scan3A_403 : i32 to index
        %get3A_471 = arith.constant 144 : index
        %get3A_472 = tpu.vector_load %arg12[%get3A_469, %get3A_470, %get3A_471] {strides = array<i32>} : memref<5x40x160xf32, #tpu.memory_space<vmem>>, vector<16xf32>,
        %add3A_473 = arith.addf %scan3A_413, %get3A_472 : vector<16xf32>
        scf.yield %add3A_419, %add3A_425, %add3A_431, %add3A_437, %add3A_443, %add3A_449, %add3A_455, %add3A_461, %add3A_467, %add3A_473 : vector<16xf32>, vector<16xf32>, vector<16xf32>, vector<16xf32>, vector<16xf32>, vector<16xf32>, vector<16xf32>, vector<16xf32>, vector<16xf32>, vector<16xf32>
      }
      %scan3A_288 = arith.constant 40 : i32
      %scan3A_289 = arith.constant 0 : i32
      %scan3A_290 = arith.constant 40 : i32
      %scan3A_291 = arith.addi %scan3A_289, %scan3A_290 : i32
      %scan3A_292 = arith.constant 1 : i32
      %scan3A_293:10 = scf.for %scan3A_403 = %scan3A_289 to %scan3A_291 step %scan3A_292 iter_args(%scan3A_404 = %scan3A_287#0, %scan3A_405 = %scan3A_287#1, %scan3A_406 = %scan3A_287#2, %scan3A_407 = %scan3A_287#3, %scan3A_408 = %scan3A_287#4, %scan3A_409 = %scan3A_287#5, %scan3A_410 = %scan3A_287#6, %scan3A_411 = %scan3A_287#7, %scan3A_412 = %scan3A_287#8, %scan3A_413 = %scan3A_287#9) -> (vector<16xf32>, vector<16xf32>, vector<16xf32>, vector<16xf32>, vector<16xf32>, vector<16xf32>, vector<16xf32>, vector<16xf32>, vector<16xf32>, vector<16xf32>)  : i32 {
        %get3A_414 = arith.constant 2 : i32
        %get3A_415 = arith.index_cast %get3A_414 : i32 to index
        %get3A_416 = arith.index_cast %scan3A_403 : i32 to index
        %get3A_417 = arith.constant 0 : index
        %get3A_418 = tpu.vector_load %arg12[%get3A_415, %get3A_416, %get3A_417] {strides = array<i32>} : memref<5x40x160xf32, #tpu.memory_space<vmem>>, vector<16xf32>,
        %add3A_419 = arith.addf %scan3A_404, %get3A_418 : vector<16xf32>
        %get3A_420 = arith.constant 2 : i32
        %get3A_421 = arith.index_cast %get3A_420 : i32 to index
        %get3A_422 = arith.index_cast %scan3A_403 : i32 to index
        %get3A_423 = arith.constant 16 : index
        %get3A_424 = tpu.vector_load %arg12[%get3A_421, %get3A_422, %get3A_423] {strides = array<i32>} : memref<5x40x160xf32, #tpu.memory_space<vmem>>, vector<16xf32>,
        %add3A_425 = arith.addf %scan3A_405, %get3A_424 : vector<16xf32>
        %get3A_426 = arith.constant 2 : i32
        %get3A_427 = arith.index_cast %get3A_426 : i32 to index
        %get3A_428 = arith.index_cast %scan3A_403 : i32 to index
        %get3A_429 = arith.constant 32 : index
        %get3A_430 = tpu.vector_load %arg12[%get3A_427, %get3A_428, %get3A_429] {strides = array<i32>} : memref<5x40x160xf32, #tpu.memory_space<vmem>>, vector<16xf32>,
        %add3A_431 = arith.addf %scan3A_406, %get3A_430 : vector<16xf32>
        %get3A_432 = arith.constant 2 : i32
        %get3A_433 = arith.index_cast %get3A_432 : i32 to index
        %get3A_434 = arith.index_cast %scan3A_403 : i32 to index
        %get3A_435 = arith.constant 48 : index
        %get3A_436 = tpu.vector_load %arg12[%get3A_433, %get3A_434, %get3A_435] {strides = array<i32>} : memref<5x40x160xf32, #tpu.memory_space<vmem>>, vector<16xf32>,
        %add3A_437 = arith.addf %scan3A_407, %get3A_436 : vector<16xf32>
        %get3A_438 = arith.constant 2 : i32
        %get3A_439 = arith.index_cast %get3A_438 : i32 to index
        %get3A_440 = arith.index_cast %scan3A_403 : i32 to index
        %get3A_441 = arith.constant 64 : index
        %get3A_442 = tpu.vector_load %arg12[%get3A_439, %get3A_440, %get3A_441] {strides = array<i32>} : memref<5x40x160xf32, #tpu.memory_space<vmem>>, vector<16xf32>,
        %add3A_443 = arith.addf %scan3A_408, %get3A_442 : vector<16xf32>
        %get3A_444 = arith.constant 2 : i32
        %get3A_445 = arith.index_cast %get3A_444 : i32 to index
        %get3A_446 = arith.index_cast %scan3A_403 : i32 to index
        %get3A_447 = arith.constant 80 : index
        %get3A_448 = tpu.vector_load %arg12[%get3A_445, %get3A_446, %get3A_447] {strides = array<i32>} : memref<5x40x160xf32, #tpu.memory_space<vmem>>, vector<16xf32>,
        %add3A_449 = arith.addf %scan3A_409, %get3A_448 : vector<16xf32>
        %get3A_450 = arith.constant 2 : i32
        %get3A_451 = arith.index_cast %get3A_450 : i32 to index
        %get3A_452 = arith.index_cast %scan3A_403 : i32 to index
        %get3A_453 = arith.constant 96 : index
        %get3A_454 = tpu.vector_load %arg12[%get3A_451, %get3A_452, %get3A_453] {strides = array<i32>} : memref<5x40x160xf32, #tpu.memory_space<vmem>>, vector<16xf32>,
        %add3A_455 = arith.addf %scan3A_410, %get3A_454 : vector<16xf32>
        %get3A_456 = arith.constant 2 : i32
        %get3A_457 = arith.index_cast %get3A_456 : i32 to index
        %get3A_458 = arith.index_cast %scan3A_403 : i32 to index
        %get3A_459 = arith.constant 112 : index
        %get3A_460 = tpu.vector_load %arg12[%get3A_457, %get3A_458, %get3A_459] {strides = array<i32>} : memref<5x40x160xf32, #tpu.memory_space<vmem>>, vector<16xf32>,
        %add3A_461 = arith.addf %scan3A_411, %get3A_460 : vector<16xf32>
        %get3A_462 = arith.constant 2 : i32
        %get3A_463 = arith.index_cast %get3A_462 : i32 to index
        %get3A_464 = arith.index_cast %scan3A_403 : i32 to index
        %get3A_465 = arith.constant 128 : index
        %get3A_466 = tpu.vector_load %arg12[%get3A_463, %get3A_464, %get3A_465] {strides = array<i32>} : memref<5x40x160xf32, #tpu.memory_space<vmem>>, vector<16xf32>,
        %add3A_467 = arith.addf %scan3A_412, %get3A_466 : vector<16xf32>
        %get3A_468 = arith.constant 2 : i32
        %get3A_469 = arith.index_cast %get3A_468 : i32 to index
        %get3A_470 = arith.index_cast %scan3A_403 : i32 to index
        %get3A_471 = arith.constant 144 : index
        %get3A_472 = tpu.vector_load %arg12[%get3A_469, %get3A_470, %get3A_471] {strides = array<i32>} : memref<5x40x160xf32, #tpu.memory_space<vmem>>, vector<16xf32>,
        %add3A_473 = arith.addf %scan3A_413, %get3A_472 : vector<16xf32>
        scf.yield %add3A_419, %add3A_425, %add3A_431, %add3A_437, %add3A_443, %add3A_449, %add3A_455, %add3A_461, %add3A_467, %add3A_473 : vector<16xf32>, vector<16xf32>, vector<16xf32>, vector<16xf32>, vector<16xf32>, vector<16xf32>, vector<16xf32>, vector<16xf32>, vector<16xf32>, vector<16xf32>
      }
      %scan3A_294 = arith.constant 40 : i32
      %scan3A_295 = arith.constant 0 : i32
      %scan3A_296 = arith.constant 40 : i32
      %scan3A_297 = arith.addi %scan3A_295, %scan3A_296 : i32
      %scan3A_298 = arith.constant 1 : i32
      %scan3A_299:10 = scf.for %scan3A_403 = %scan3A_295 to %scan3A_297 step %scan3A_298 iter_args(%scan3A_404 = %scan3A_293#0, %scan3A_405 = %scan3A_293#1, %scan3A_406 = %scan3A_293#2, %scan3A_407 = %scan3A_293#3, %scan3A_408 = %scan3A_293#4, %scan3A_409 = %scan3A_293#5, %scan3A_410 = %scan3A_293#6, %scan3A_411 = %scan3A_293#7, %scan3A_412 = %scan3A_293#8, %scan3A_413 = %scan3A_293#9) -> (vector<16xf32>, vector<16xf32>, vector<16xf32>, vector<16xf32>, vector<16xf32>, vector<16xf32>, vector<16xf32>, vector<16xf32>, vector<16xf32>, vector<16xf32>)  : i32 {
        %get3A_414 = arith.constant 3 : i32
        %get3A_415 = arith.index_cast %get3A_414 : i32 to index
        %get3A_416 = arith.index_cast %scan3A_403 : i32 to index
        %get3A_417 = arith.constant 0 : index
        %get3A_418 = tpu.vector_load %arg12[%get3A_415, %get3A_416, %get3A_417] {strides = array<i32>} : memref<5x40x160xf32, #tpu.memory_space<vmem>>, vector<16xf32>,
        %add3A_419 = arith.addf %scan3A_404, %get3A_418 : vector<16xf32>
        %get3A_420 = arith.constant 3 : i32
        %get3A_421 = arith.index_cast %get3A_420 : i32 to index
        %get3A_422 = arith.index_cast %scan3A_403 : i32 to index
        %get3A_423 = arith.constant 16 : index
        %get3A_424 = tpu.vector_load %arg12[%get3A_421, %get3A_422, %get3A_423] {strides = array<i32>} : memref<5x40x160xf32, #tpu.memory_space<vmem>>, vector<16xf32>,
        %add3A_425 = arith.addf %scan3A_405, %get3A_424 : vector<16xf32>
        %get3A_426 = arith.constant 3 : i32
        %get3A_427 = arith.index_cast %get3A_426 : i32 to index
        %get3A_428 = arith.index_cast %scan3A_403 : i32 to index
        %get3A_429 = arith.constant 32 : index
        %get3A_430 = tpu.vector_load %arg12[%get3A_427, %get3A_428, %get3A_429] {strides = array<i32>} : memref<5x40x160xf32, #tpu.memory_space<vmem>>, vector<16xf32>,
        %add3A_431 = arith.addf %scan3A_406, %get3A_430 : vector<16xf32>
        %get3A_432 = arith.constant 3 : i32
        %get3A_433 = arith.index_cast %get3A_432 : i32 to index
        %get3A_434 = arith.index_cast %scan3A_403 : i32 to index
        %get3A_435 = arith.constant 48 : index
        %get3A_436 = tpu.vector_load %arg12[%get3A_433, %get3A_434, %get3A_435] {strides = array<i32>} : memref<5x40x160xf32, #tpu.memory_space<vmem>>, vector<16xf32>,
        %add3A_437 = arith.addf %scan3A_407, %get3A_436 : vector<16xf32>
        %get3A_438 = arith.constant 3 : i32
        %get3A_439 = arith.index_cast %get3A_438 : i32 to index
        %get3A_440 = arith.index_cast %scan3A_403 : i32 to index
        %get3A_441 = arith.constant 64 : index
        %get3A_442 = tpu.vector_load %arg12[%get3A_439, %get3A_440, %get3A_441] {strides = array<i32>} : memref<5x40x160xf32, #tpu.memory_space<vmem>>, vector<16xf32>,
        %add3A_443 = arith.addf %scan3A_408, %get3A_442 : vector<16xf32>
        %get3A_444 = arith.constant 3 : i32
        %get3A_445 = arith.index_cast %get3A_444 : i32 to index
        %get3A_446 = arith.index_cast %scan3A_403 : i32 to index
        %get3A_447 = arith.constant 80 : index
        %get3A_448 = tpu.vector_load %arg12[%get3A_445, %get3A_446, %get3A_447] {strides = array<i32>} : memref<5x40x160xf32, #tpu.memory_space<vmem>>, vector<16xf32>,
        %add3A_449 = arith.addf %scan3A_409, %get3A_448 : vector<16xf32>
        %get3A_450 = arith.constant 3 : i32
        %get3A_451 = arith.index_cast %get3A_450 : i32 to index
        %get3A_452 = arith.index_cast %scan3A_403 : i32 to index
        %get3A_453 = arith.constant 96 : index
        %get3A_454 = tpu.vector_load %arg12[%get3A_451, %get3A_452, %get3A_453] {strides = array<i32>} : memref<5x40x160xf32, #tpu.memory_space<vmem>>, vector<16xf32>,
        %add3A_455 = arith.addf %scan3A_410, %get3A_454 : vector<16xf32>
        %get3A_456 = arith.constant 3 : i32
        %get3A_457 = arith.index_cast %get3A_456 : i32 to index
        %get3A_458 = arith.index_cast %scan3A_403 : i32 to index
        %get3A_459 = arith.constant 112 : index
        %get3A_460 = tpu.vector_load %arg12[%get3A_457, %get3A_458, %get3A_459] {strides = array<i32>} : memref<5x40x160xf32, #tpu.memory_space<vmem>>, vector<16xf32>,
        %add3A_461 = arith.addf %scan3A_411, %get3A_460 : vector<16xf32>
        %get3A_462 = arith.constant 3 : i32
        %get3A_463 = arith.index_cast %get3A_462 : i32 to index
        %get3A_464 = arith.index_cast %scan3A_403 : i32 to index
        %get3A_465 = arith.constant 128 : index
        %get3A_466 = tpu.vector_load %arg12[%get3A_463, %get3A_464, %get3A_465] {strides = array<i32>} : memref<5x40x160xf32, #tpu.memory_space<vmem>>, vector<16xf32>,
        %add3A_467 = arith.addf %scan3A_412, %get3A_466 : vector<16xf32>
        %get3A_468 = arith.constant 3 : i32
        %get3A_469 = arith.index_cast %get3A_468 : i32 to index
        %get3A_470 = arith.index_cast %scan3A_403 : i32 to index
        %get3A_471 = arith.constant 144 : index
        %get3A_472 = tpu.vector_load %arg12[%get3A_469, %get3A_470, %get3A_471] {strides = array<i32>} : memref<5x40x160xf32, #tpu.memory_space<vmem>>, vector<16xf32>,
        %add3A_473 = arith.addf %scan3A_413, %get3A_472 : vector<16xf32>
        scf.yield %add3A_419, %add3A_425, %add3A_431, %add3A_437, %add3A_443, %add3A_449, %add3A_455, %add3A_461, %add3A_467, %add3A_473 : vector<16xf32>, vector<16xf32>, vector<16xf32>, vector<16xf32>, vector<16xf32>, vector<16xf32>, vector<16xf32>, vector<16xf32>, vector<16xf32>, vector<16xf32>
      }
      %scan3A_300 = arith.constant 40 : i32
      %scan3A_301 = arith.constant 0 : i32
      %scan3A_302 = arith.constant 40 : i32
      %scan3A_303 = arith.addi %scan3A_301, %scan3A_302 : i32
      %scan3A_304 = arith.constant 1 : i32
      %scan3A_305:10 = scf.for %scan3A_403 = %scan3A_301 to %scan3A_303 step %scan3A_304 iter_args(%scan3A_404 = %scan3A_299#0, %scan3A_405 = %scan3A_299#1, %scan3A_406 = %scan3A_299#2, %scan3A_407 = %scan3A_299#3, %scan3A_408 = %scan3A_299#4, %scan3A_409 = %scan3A_299#5, %scan3A_410 = %scan3A_299#6, %scan3A_411 = %scan3A_299#7, %scan3A_412 = %scan3A_299#8, %scan3A_413 = %scan3A_299#9) -> (vector<16xf32>, vector<16xf32>, vector<16xf32>, vector<16xf32>, vector<16xf32>, vector<16xf32>, vector<16xf32>, vector<16xf32>, vector<16xf32>, vector<16xf32>)  : i32 {
        %get3A_414 = arith.constant 4 : i32
        %get3A_415 = arith.index_cast %get3A_414 : i32 to index
        %get3A_416 = arith.index_cast %scan3A_403 : i32 to index
        %get3A_417 = arith.constant 0 : index
        %get3A_418 = tpu.vector_load %arg12[%get3A_415, %get3A_416, %get3A_417] {strides = array<i32>} : memref<5x40x160xf32, #tpu.memory_space<vmem>>, vector<16xf32>,
        %add3A_419 = arith.addf %scan3A_404, %get3A_418 : vector<16xf32>
        %get3A_420 = arith.constant 4 : i32
        %get3A_421 = arith.index_cast %get3A_420 : i32 to index
        %get3A_422 = arith.index_cast %scan3A_403 : i32 to index
        %get3A_423 = arith.constant 16 : index
        %get3A_424 = tpu.vector_load %arg12[%get3A_421, %get3A_422, %get3A_423] {strides = array<i32>} : memref<5x40x160xf32, #tpu.memory_space<vmem>>, vector<16xf32>,
        %add3A_425 = arith.addf %scan3A_405, %get3A_424 : vector<16xf32>
        %get3A_426 = arith.constant 4 : i32
        %get3A_427 = arith.index_cast %get3A_426 : i32 to index
        %get3A_428 = arith.index_cast %scan3A_403 : i32 to index
        %get3A_429 = arith.constant 32 : index
        %get3A_430 = tpu.vector_load %arg12[%get3A_427, %get3A_428, %get3A_429] {strides = array<i32>} : memref<5x40x160xf32, #tpu.memory_space<vmem>>, vector<16xf32>,
        %add3A_431 = arith.addf %scan3A_406, %get3A_430 : vector<16xf32>
        %get3A_432 = arith.constant 4 : i32
        %get3A_433 = arith.index_cast %get3A_432 : i32 to index
        %get3A_434 = arith.index_cast %scan3A_403 : i32 to index
        %get3A_435 = arith.constant 48 : index
        %get3A_436 = tpu.vector_load %arg12[%get3A_433, %get3A_434, %get3A_435] {strides = array<i32>} : memref<5x40x160xf32, #tpu.memory_space<vmem>>, vector<16xf32>,
        %add3A_437 = arith.addf %scan3A_407, %get3A_436 : vector<16xf32>
        %get3A_438 = arith.constant 4 : i32
        %get3A_439 = arith.index_cast %get3A_438 : i32 to index
        %get3A_440 = arith.index_cast %scan3A_403 : i32 to index
        %get3A_441 = arith.constant 64 : index
        %get3A_442 = tpu.vector_load %arg12[%get3A_439, %get3A_440, %get3A_441] {strides = array<i32>} : memref<5x40x160xf32, #tpu.memory_space<vmem>>, vector<16xf32>,
        %add3A_443 = arith.addf %scan3A_408, %get3A_442 : vector<16xf32>
        %get3A_444 = arith.constant 4 : i32
        %get3A_445 = arith.index_cast %get3A_444 : i32 to index
        %get3A_446 = arith.index_cast %scan3A_403 : i32 to index
        %get3A_447 = arith.constant 80 : index
        %get3A_448 = tpu.vector_load %arg12[%get3A_445, %get3A_446, %get3A_447] {strides = array<i32>} : memref<5x40x160xf32, #tpu.memory_space<vmem>>, vector<16xf32>,
        %add3A_449 = arith.addf %scan3A_409, %get3A_448 : vector<16xf32>
        %get3A_450 = arith.constant 4 : i32
        %get3A_451 = arith.index_cast %get3A_450 : i32 to index
        %get3A_452 = arith.index_cast %scan3A_403 : i32 to index
        %get3A_453 = arith.constant 96 : index
        %get3A_454 = tpu.vector_load %arg12[%get3A_451, %get3A_452, %get3A_453] {strides = array<i32>} : memref<5x40x160xf32, #tpu.memory_space<vmem>>, vector<16xf32>,
        %add3A_455 = arith.addf %scan3A_410, %get3A_454 : vector<16xf32>
        %get3A_456 = arith.constant 4 : i32
        %get3A_457 = arith.index_cast %get3A_456 : i32 to index
        %get3A_458 = arith.index_cast %scan3A_403 : i32 to index
        %get3A_459 = arith.constant 112 : index
        %get3A_460 = tpu.vector_load %arg12[%get3A_457, %get3A_458, %get3A_459] {strides = array<i32>} : memref<5x40x160xf32, #tpu.memory_space<vmem>>, vector<16xf32>,
        %add3A_461 = arith.addf %scan3A_411, %get3A_460 : vector<16xf32>
        %get3A_462 = arith.constant 4 : i32
        %get3A_463 = arith.index_cast %get3A_462 : i32 to index
        %get3A_464 = arith.index_cast %scan3A_403 : i32 to index
        %get3A_465 = arith.constant 128 : index
        %get3A_466 = tpu.vector_load %arg12[%get3A_463, %get3A_464, %get3A_465] {strides = array<i32>} : memref<5x40x160xf32, #tpu.memory_space<vmem>>, vector<16xf32>,
        %add3A_467 = arith.addf %scan3A_412, %get3A_466 : vector<16xf32>
        %get3A_468 = arith.constant 4 : i32
        %get3A_469 = arith.index_cast %get3A_468 : i32 to index
        %get3A_470 = arith.index_cast %scan3A_403 : i32 to index
        %get3A_471 = arith.constant 144 : index
        %get3A_472 = tpu.vector_load %arg12[%get3A_469, %get3A_470, %get3A_471] {strides = array<i32>} : memref<5x40x160xf32, #tpu.memory_space<vmem>>, vector<16xf32>,
        %add3A_473 = arith.addf %scan3A_413, %get3A_472 : vector<16xf32>
        scf.yield %add3A_419, %add3A_425, %add3A_431, %add3A_437, %add3A_443, %add3A_449, %add3A_455, %add3A_461, %add3A_467, %add3A_473 : vector<16xf32>, vector<16xf32>, vector<16xf32>, vector<16xf32>, vector<16xf32>, vector<16xf32>, vector<16xf32>, vector<16xf32>, vector<16xf32>, vector<16xf32>
      }
      %scan3A_306 = arith.constant 40 : i32
      %swap3A_307 = arith.index_cast %scan3A_55 : i32 to index
      %swap3A_308 = arith.constant 0 : index
      %swap3A_309 = tpu.vector_load %arg14[%swap3A_307, %swap3A_308] {strides = array<i32>} : memref<32x160xf32, #tpu.memory_space<vmem>>, vector<16xf32>,
      tpu.vector_store %arg14[%swap3A_307, %swap3A_308], %scan3A_305#0 {strides = array<i32>} : memref<32x160xf32, #tpu.memory_space<vmem>>, vector<16xf32>,
      %swap3A_310 = arith.index_cast %scan3A_55 : i32 to index
      %swap3A_311 = arith.constant 16 : index
      %swap3A_312 = tpu.vector_load %arg14[%swap3A_310, %swap3A_311] {strides = array<i32>} : memref<32x160xf32, #tpu.memory_space<vmem>>, vector<16xf32>,
      tpu.vector_store %arg14[%swap3A_310, %swap3A_311], %scan3A_305#1 {strides = array<i32>} : memref<32x160xf32, #tpu.memory_space<vmem>>, vector<16xf32>,
      %swap3A_313 = arith.index_cast %scan3A_55 : i32 to index
      %swap3A_314 = arith.constant 32 : index
      %swap3A_315 = tpu.vector_load %arg14[%swap3A_313, %swap3A_314] {strides = array<i32>} : memref<32x160xf32, #tpu.memory_space<vmem>>, vector<16xf32>,
      tpu.vector_store %arg14[%swap3A_313, %swap3A_314], %scan3A_305#2 {strides = array<i32>} : memref<32x160xf32, #tpu.memory_space<vmem>>, vector<16xf32>,
      %swap3A_316 = arith.index_cast %scan3A_55 : i32 to index
      %swap3A_317 = arith.constant 48 : index
      %swap3A_318 = tpu.vector_load %arg14[%swap3A_316, %swap3A_317] {strides = array<i32>} : memref<32x160xf32, #tpu.memory_space<vmem>>, vector<16xf32>,
      tpu.vector_store %arg14[%swap3A_316, %swap3A_317], %scan3A_305#3 {strides = array<i32>} : memref<32x160xf32, #tpu.memory_space<vmem>>, vector<16xf32>,
      %swap3A_319 = arith.index_cast %scan3A_55 : i32 to index
      %swap3A_320 = arith.constant 64 : index
      %swap3A_321 = tpu.vector_load %arg14[%swap3A_319, %swap3A_320] {strides = array<i32>} : memref<32x160xf32, #tpu.memory_space<vmem>>, vector<16xf32>,
      tpu.vector_store %arg14[%swap3A_319, %swap3A_320], %scan3A_305#4 {strides = array<i32>} : memref<32x160xf32, #tpu.memory_space<vmem>>, vector<16xf32>,
      %swap3A_322 = arith.index_cast %scan3A_55 : i32 to index
      %swap3A_323 = arith.constant 80 : index
      %swap3A_324 = tpu.vector_load %arg14[%swap3A_322, %swap3A_323] {strides = array<i32>} : memref<32x160xf32, #tpu.memory_space<vmem>>, vector<16xf32>,
      tpu.vector_store %arg14[%swap3A_322, %swap3A_323], %scan3A_305#5 {strides = array<i32>} : memref<32x160xf32, #tpu.memory_space<vmem>>, vector<16xf32>,
      %swap3A_325 = arith.index_cast %scan3A_55 : i32 to index
      %swap3A_326 = arith.constant 96 : index
      %swap3A_327 = tpu.vector_load %arg14[%swap3A_325, %swap3A_326] {strides = array<i32>} : memref<32x160xf32, #tpu.memory_space<vmem>>, vector<16xf32>,
      tpu.vector_store %arg14[%swap3A_325, %swap3A_326], %scan3A_305#6 {strides = array<i32>} : memref<32x160xf32, #tpu.memory_space<vmem>>, vector<16xf32>,
      %swap3A_328 = arith.index_cast %scan3A_55 : i32 to index
      %swap3A_329 = arith.constant 112 : index
      %swap3A_330 = tpu.vector_load %arg14[%swap3A_328, %swap3A_329] {strides = array<i32>} : memref<32x160xf32, #tpu.memory_space<vmem>>, vector<16xf32>,
      tpu.vector_store %arg14[%swap3A_328, %swap3A_329], %scan3A_305#7 {strides = array<i32>} : memref<32x160xf32, #tpu.memory_space<vmem>>, vector<16xf32>,
      %swap3A_331 = arith.index_cast %scan3A_55 : i32 to index
      %swap3A_332 = arith.constant 128 : index
      %swap3A_333 = tpu.vector_load %arg14[%swap3A_331, %swap3A_332] {strides = array<i32>} : memref<32x160xf32, #tpu.memory_space<vmem>>, vector<16xf32>,
      tpu.vector_store %arg14[%swap3A_331, %swap3A_332], %scan3A_305#8 {strides = array<i32>} : memref<32x160xf32, #tpu.memory_space<vmem>>, vector<16xf32>,
      %swap3A_334 = arith.index_cast %scan3A_55 : i32 to index
      %swap3A_335 = arith.constant 144 : index
      %swap3A_336 = tpu.vector_load %arg14[%swap3A_334, %swap3A_335] {strides = array<i32>} : memref<32x160xf32, #tpu.memory_space<vmem>>, vector<16xf32>,
      tpu.vector_store %arg14[%swap3A_334, %swap3A_335], %scan3A_305#9 {strides = array<i32>} : memref<32x160xf32, #tpu.memory_space<vmem>>, vector<16xf32>,
      %broadcast_in_dim3A_337 = arith.constant 0.000000e+00 : f32
      %broadcast_in_dim3A_338 = vector.broadcast %broadcast_in_dim3A_337 : f32 to vector<16xf32>
      %broadcast_in_dim3A_339 = arith.constant 0 : i32
      %broadcast_in_dim3A_340 = vector.broadcast %broadcast_in_dim3A_339 : i32 to vector<16xi32>
      %add3A_341 = arith.constant 0 : i32
      %add3A_342 = vector.broadcast %add3A_341 : i32 to vector<16xi32>
      %add3A_343 = arith.addi %broadcast_in_dim3A_340, %add3A_342 : vector<16xi32>
      %scan3A_344 = arith.constant 0 : i32
      %scan3A_345 = arith.constant 20 : i32
      %scan3A_346 = arith.addi %scan3A_344, %scan3A_345 : i32
      %scan3A_347 = arith.constant 1 : i32
      %scan3A_348 = scf.for %scan3A_403 = %scan3A_344 to %scan3A_346 step %scan3A_347 iter_args(%scan3A_404 = %broadcast_in_dim3A_338) -> (vector<16xf32>)  : i32 {
        %mul3A_405 = arith.constant 2 : i32
        %mul3A_406 = arith.muli %mul3A_405, %scan3A_403 : i32
        %add3A_407 = vector.broadcast %mul3A_406 : i32 to vector<16xi32>
        %add3A_408 = arith.addi %add3A_407, %select_n3A : vector<16xi32>
        %gather3A_409 = tpu.vector_load_idx %arg13[%add3A_343, %add3A_408, %and3A_20] : memref<5x40x8xf32, #tpu.memory_space<vmem>>[vector<16xi32>, vector<16xi32>, vector<16xi32>], vector<16xf32>,
        %add3A_410 = arith.addf %scan3A_404, %gather3A_409 : vector<16xf32>
        scf.yield %add3A_410 : vector<16xf32>
      }
      %scan3A_349 = arith.constant 20 : i32
      %broadcast_in_dim3A_350 = arith.constant 0 : i32
      %broadcast_in_dim3A_351 = vector.broadcast %broadcast_in_dim3A_350 : i32 to vector<16xi32>
      %add3A_352 = arith.constant 1 : i32
      %add3A_353 = vector.broadcast %add3A_352 : i32 to vector<16xi32>
      %add3A_354 = arith.addi %broadcast_in_dim3A_351, %add3A_353 : vector<16xi32>
      %scan3A_355 = arith.constant 0 : i32
      %scan3A_356 = arith.constant 20 : i32
      %scan3A_357 = arith.addi %scan3A_355, %scan3A_356 : i32
      %scan3A_358 = arith.constant 1 : i32
      %scan3A_359 = scf.for %scan3A_403 = %scan3A_355 to %scan3A_357 step %scan3A_358 iter_args(%scan3A_404 = %scan3A_348) -> (vector<16xf32>)  : i32 {
        %mul3A_405 = arith.constant 2 : i32
        %mul3A_406 = arith.muli %mul3A_405, %scan3A_403 : i32
        %add3A_407 = vector.broadcast %mul3A_406 : i32 to vector<16xi32>
        %add3A_408 = arith.addi %add3A_407, %select_n3A : vector<16xi32>
        %gather3A_409 = tpu.vector_load_idx %arg13[%add3A_354, %add3A_408, %and3A_20] : memref<5x40x8xf32, #tpu.memory_space<vmem>>[vector<16xi32>, vector<16xi32>, vector<16xi32>], vector<16xf32>,
        %add3A_410 = arith.addf %scan3A_404, %gather3A_409 : vector<16xf32>
        scf.yield %add3A_410 : vector<16xf32>
      }
      %scan3A_360 = arith.constant 20 : i32
      %broadcast_in_dim3A_361 = arith.constant 0 : i32
      %broadcast_in_dim3A_362 = vector.broadcast %broadcast_in_dim3A_361 : i32 to vector<16xi32>
      %add3A_363 = arith.constant 2 : i32
      %add3A_364 = vector.broadcast %add3A_363 : i32 to vector<16xi32>
      %add3A_365 = arith.addi %broadcast_in_dim3A_362, %add3A_364 : vector<16xi32>
      %scan3A_366 = arith.constant 0 : i32
      %scan3A_367 = arith.constant 20 : i32
      %scan3A_368 = arith.addi %scan3A_366, %scan3A_367 : i32
      %scan3A_369 = arith.constant 1 : i32
      %scan3A_370 = scf.for %scan3A_403 = %scan3A_366 to %scan3A_368 step %scan3A_369 iter_args(%scan3A_404 = %scan3A_359) -> (vector<16xf32>)  : i32 {
        %mul3A_405 = arith.constant 2 : i32
        %mul3A_406 = arith.muli %mul3A_405, %scan3A_403 : i32
        %add3A_407 = vector.broadcast %mul3A_406 : i32 to vector<16xi32>
        %add3A_408 = arith.addi %add3A_407, %select_n3A : vector<16xi32>
        %gather3A_409 = tpu.vector_load_idx %arg13[%add3A_365, %add3A_408, %and3A_20] : memref<5x40x8xf32, #tpu.memory_space<vmem>>[vector<16xi32>, vector<16xi32>, vector<16xi32>], vector<16xf32>,
        %add3A_410 = arith.addf %scan3A_404, %gather3A_409 : vector<16xf32>
        scf.yield %add3A_410 : vector<16xf32>
      }
      %scan3A_371 = arith.constant 20 : i32
      %broadcast_in_dim3A_372 = arith.constant 0 : i32
      %broadcast_in_dim3A_373 = vector.broadcast %broadcast_in_dim3A_372 : i32 to vector<16xi32>
      %add3A_374 = arith.constant 3 : i32
      %add3A_375 = vector.broadcast %add3A_374 : i32 to vector<16xi32>
      %add3A_376 = arith.addi %broadcast_in_dim3A_373, %add3A_375 : vector<16xi32>
      %scan3A_377 = arith.constant 0 : i32
      %scan3A_378 = arith.constant 20 : i32
      %scan3A_379 = arith.addi %scan3A_377, %scan3A_378 : i32
      %scan3A_380 = arith.constant 1 : i32
      %scan3A_381 = scf.for %scan3A_403 = %scan3A_377 to %scan3A_379 step %scan3A_380 iter_args(%scan3A_404 = %scan3A_370) -> (vector<16xf32>)  : i32 {
        %mul3A_405 = arith.constant 2 : i32
        %mul3A_406 = arith.muli %mul3A_405, %scan3A_403 : i32
        %add3A_407 = vector.broadcast %mul3A_406 : i32 to vector<16xi32>
        %add3A_408 = arith.addi %add3A_407, %select_n3A : vector<16xi32>
        %gather3A_409 = tpu.vector_load_idx %arg13[%add3A_376, %add3A_408, %and3A_20] : memref<5x40x8xf32, #tpu.memory_space<vmem>>[vector<16xi32>, vector<16xi32>, vector<16xi32>], vector<16xf32>,
        %add3A_410 = arith.addf %scan3A_404, %gather3A_409 : vector<16xf32>
        scf.yield %add3A_410 : vector<16xf32>
      }
      %scan3A_382 = arith.constant 20 : i32
      %broadcast_in_dim3A_383 = arith.constant 0 : i32
      %broadcast_in_dim3A_384 = vector.broadcast %broadcast_in_dim3A_383 : i32 to vector<16xi32>
      %add3A_385 = arith.constant 4 : i32
      %add3A_386 = vector.broadcast %add3A_385 : i32 to vector<16xi32>
      %add3A_387 = arith.addi %broadcast_in_dim3A_384, %add3A_386 : vector<16xi32>
      %scan3A_388 = arith.constant 0 : i32
      %scan3A_389 = arith.constant 20 : i32
      %scan3A_390 = arith.addi %scan3A_388, %scan3A_389 : i32
      %scan3A_391 = arith.constant 1 : i32
      %scan3A_392 = scf.for %scan3A_403 = %scan3A_388 to %scan3A_390 step %scan3A_391 iter_args(%scan3A_404 = %scan3A_381) -> (vector<16xf32>)  : i32 {
        %mul3A_405 = arith.constant 2 : i32
        %mul3A_406 = arith.muli %mul3A_405, %scan3A_403 : i32
        %add3A_407 = vector.broadcast %mul3A_406 : i32 to vector<16xi32>
        %add3A_408 = arith.addi %add3A_407, %select_n3A : vector<16xi32>
        %gather3A_409 = tpu.vector_load_idx %arg13[%add3A_387, %add3A_408, %and3A_20] : memref<5x40x8xf32, #tpu.memory_space<vmem>>[vector<16xi32>, vector<16xi32>, vector<16xi32>], vector<16xf32>,
        %add3A_410 = arith.addf %scan3A_404, %gather3A_409 : vector<16xf32>
        scf.yield %add3A_410 : vector<16xf32>
      }
      %scan3A_393 = arith.constant 20 : i32
      %swap3A_394 = arith.constant 0 : index
      %swap3A_395 = tpu.vector_load %arg18[%swap3A_394] {strides = array<i32>} : memref<32xf32, #tpu.memory_space<vmem>>, vector<16xf32>,
      tpu.vector_store %arg18[%swap3A_394], %scan3A_392 {strides = array<i32>} : memref<32xf32, #tpu.memory_space<vmem>>, vector<16xf32>,
      %xor3A = arith.constant 8 : i32
      %xor3A_396 = vector.broadcast %xor3A : i32 to vector<16xi32>
      %xor3A_397 = arith.xori %iota3A, %xor3A_396 : vector<16xi32>
      %gather3A = tpu.vector_load_idx %arg18[%xor3A_397] : memref<32xf32, #tpu.memory_space<vmem>>[vector<16xi32>], vector<16xf32>,
      %add3A_398 = arith.addf %scan3A_392, %gather3A : vector<16xf32>
      %swap3A_399 = arith.index_cast %scan3A_55 : i32 to index
      %swap3A_400 = arith.constant 0 : index
      %swap3A_401 = tpu.vector_load %arg15[%swap3A_399, %swap3A_400] {strides = array<i32>} : memref<32x16xf32, #tpu.memory_space<vmem>>, vector<16xf32>,
      tpu.vector_store %arg15[%swap3A_399, %swap3A_400], %add3A_398 {strides = array<i32>} : memref<32x16xf32, #tpu.memory_space<vmem>>, vector<16xf32>,
      %scan3A_402 = arith.constant 0 : i32
      scf.yield %scan3A_402 : i32
    }
    %scan3A_26 = arith.constant 32 : i32
    %get3A = arith.constant 0 : index
    %get3A_27 = tpu.vector_load %arg11[%get3A] {strides = array<i32>} : memref<32xi32, #tpu.memory_space<vmem>>, vector<16xi32>,
    %ne3A = arith.constant 0 : i32
    %ne3A_28 = vector.broadcast %ne3A : i32 to vector<16xi32>
    %ne3A_29 = arith.cmpi ne, %get3A_27, %ne3A_28 : vector<16xi32>
    %jit3A_30 = arith.constant 1.000000e+00 : f32
    %jit3A_31 = arith.constant 0.000000e+00 : f32
    %broadcast_in_dim3A_32 = vector.broadcast %jit3A_30 : f32 to vector<16xf32>
    %broadcast_in_dim3A_33 = vector.broadcast %jit3A_31 : f32 to vector<16xf32>
    %select_n3A_34 = arith.select %ne3A_29, %broadcast_in_dim3A_32, %broadcast_in_dim3A_33 : vector<16xi1>, vector<16xf32>
    %swap3A = arith.constant 0 : index
    %swap3A_35 = tpu.vector_load %arg18[%swap3A] {strides = array<i32>} : memref<32xf32, #tpu.memory_space<vmem>>, vector<16xf32>,
    tpu.vector_store %arg18[%swap3A], %select_n3A_34 {strides = array<i32>} : memref<32xf32, #tpu.memory_space<vmem>>, vector<16xf32>,
    %get3A_36 = arith.constant 16 : index
    %get3A_37 = tpu.vector_load %arg11[%get3A_36] {strides = array<i32>} : memref<32xi32, #tpu.memory_space<vmem>>, vector<16xi32>,
    %ne3A_38 = arith.constant 0 : i32
    %ne3A_39 = vector.broadcast %ne3A_38 : i32 to vector<16xi32>
    %ne3A_40 = arith.cmpi ne, %get3A_37, %ne3A_39 : vector<16xi32>
    %jit3A_41 = arith.constant 1.000000e+00 : f32
    %jit3A_42 = arith.constant 0.000000e+00 : f32
    %broadcast_in_dim3A_43 = vector.broadcast %jit3A_41 : f32 to vector<16xf32>
    %broadcast_in_dim3A_44 = vector.broadcast %jit3A_42 : f32 to vector<16xf32>
    %select_n3A_45 = arith.select %ne3A_40, %broadcast_in_dim3A_43, %broadcast_in_dim3A_44 : vector<16xi1>, vector<16xf32>
    %swap3A_46 = arith.constant 16 : index
    %swap3A_47 = tpu.vector_load %arg18[%swap3A_46] {strides = array<i32>} : memref<32xf32, #tpu.memory_space<vmem>>, vector<16xf32>,
    tpu.vector_store %arg18[%swap3A_46], %select_n3A_45 {strides = array<i32>} : memref<32xf32, #tpu.memory_space<vmem>>, vector<16xf32>,
    %scan3A_48 = arith.constant 0 : i32
    %scan3A_49 = arith.constant 0 : i32
    %scan3A_50 = arith.constant 32 : i32
    %scan3A_51 = arith.addi %scan3A_49, %scan3A_50 : i32
    %scan3A_52 = arith.constant 1 : i32
    %scan3A_53 = scf.for %scan3A_55 = %scan3A_49 to %scan3A_51 step %scan3A_52 iter_args(%scan3A_56 = %scan3A_48) -> (i32)  : i32 {
      %broadcast_in_dim3A_57 = arith.constant 0 : i32
      %broadcast_in_dim3A_58 = vector.broadcast %broadcast_in_dim3A_57 : i32 to vector<16xi32>
      %add3A_59 = vector.broadcast %scan3A_55 : i32 to vector<16xi32>
      %add3A_60 = arith.addi %broadcast_in_dim3A_58, %add3A_59 : vector<16xi32>
      %gather3A = tpu.vector_load_idx %arg18[%add3A_60] : memref<32xf32, #tpu.memory_space<vmem>>[vector<16xi32>], vector<16xf32>,
      %get3A_61 = arith.index_cast %scan3A_55 : i32 to index
      %get3A_62 = arith.constant 0 : index
      %get3A_63 = tpu.vector_load %arg16[%get3A_61, %get3A_62] {strides = array<i32>} : memref<32x160xf32, #tpu.memory_space<vmem>>, vector<16xf32>,
      %mul3A_64 = arith.mulf %get3A_63, %gather3A : vector<16xf32>
      %swap3A_65 = arith.index_cast %scan3A_55 : i32 to index
      %swap3A_66 = arith.constant 0 : index
      %swap3A_67 = tpu.vector_load %arg16[%swap3A_65, %swap3A_66] {strides = array<i32>} : memref<32x160xf32, #tpu.memory_space<vmem>>, vector<16xf32>,
      tpu.vector_store %arg16[%swap3A_65, %swap3A_66], %mul3A_64 {strides = array<i32>} : memref<32x160xf32, #tpu.memory_space<vmem>>, vector<16xf32>,
      %get3A_68 = arith.index_cast %scan3A_55 : i32 to index
      %get3A_69 = arith.constant 16 : index
      %get3A_70 = tpu.vector_load %arg16[%get3A_68, %get3A_69] {strides = array<i32>} : memref<32x160xf32, #tpu.memory_space<vmem>>, vector<16xf32>,
      %mul3A_71 = arith.mulf %get3A_70, %gather3A : vector<16xf32>
      %swap3A_72 = arith.index_cast %scan3A_55 : i32 to index
      %swap3A_73 = arith.constant 16 : index
      %swap3A_74 = tpu.vector_load %arg16[%swap3A_72, %swap3A_73] {strides = array<i32>} : memref<32x160xf32, #tpu.memory_space<vmem>>, vector<16xf32>,
      tpu.vector_store %arg16[%swap3A_72, %swap3A_73], %mul3A_71 {strides = array<i32>} : memref<32x160xf32, #tpu.memory_space<vmem>>, vector<16xf32>,
      %get3A_75 = arith.index_cast %scan3A_55 : i32 to index
      %get3A_76 = arith.constant 32 : index
      %get3A_77 = tpu.vector_load %arg16[%get3A_75, %get3A_76] {strides = array<i32>} : memref<32x160xf32, #tpu.memory_space<vmem>>, vector<16xf32>,
      %mul3A_78 = arith.mulf %get3A_77, %gather3A : vector<16xf32>
      %swap3A_79 = arith.index_cast %scan3A_55 : i32 to index
      %swap3A_80 = arith.constant 32 : index
      %swap3A_81 = tpu.vector_load %arg16[%swap3A_79, %swap3A_80] {strides = array<i32>} : memref<32x160xf32, #tpu.memory_space<vmem>>, vector<16xf32>,
      tpu.vector_store %arg16[%swap3A_79, %swap3A_80], %mul3A_78 {strides = array<i32>} : memref<32x160xf32, #tpu.memory_space<vmem>>, vector<16xf32>,
      %get3A_82 = arith.index_cast %scan3A_55 : i32 to index
      %get3A_83 = arith.constant 48 : index
      %get3A_84 = tpu.vector_load %arg16[%get3A_82, %get3A_83] {strides = array<i32>} : memref<32x160xf32, #tpu.memory_space<vmem>>, vector<16xf32>,
      %mul3A_85 = arith.mulf %get3A_84, %gather3A : vector<16xf32>
      %swap3A_86 = arith.index_cast %scan3A_55 : i32 to index
      %swap3A_87 = arith.constant 48 : index
      %swap3A_88 = tpu.vector_load %arg16[%swap3A_86, %swap3A_87] {strides = array<i32>} : memref<32x160xf32, #tpu.memory_space<vmem>>, vector<16xf32>,
      tpu.vector_store %arg16[%swap3A_86, %swap3A_87], %mul3A_85 {strides = array<i32>} : memref<32x160xf32, #tpu.memory_space<vmem>>, vector<16xf32>,
      %get3A_89 = arith.index_cast %scan3A_55 : i32 to index
      %get3A_90 = arith.constant 64 : index
      %get3A_91 = tpu.vector_load %arg16[%get3A_89, %get3A_90] {strides = array<i32>} : memref<32x160xf32, #tpu.memory_space<vmem>>, vector<16xf32>,
      %mul3A_92 = arith.mulf %get3A_91, %gather3A : vector<16xf32>
      %swap3A_93 = arith.index_cast %scan3A_55 : i32 to index
      %swap3A_94 = arith.constant 64 : index
      %swap3A_95 = tpu.vector_load %arg16[%swap3A_93, %swap3A_94] {strides = array<i32>} : memref<32x160xf32, #tpu.memory_space<vmem>>, vector<16xf32>,
      tpu.vector_store %arg16[%swap3A_93, %swap3A_94], %mul3A_92 {strides = array<i32>} : memref<32x160xf32, #tpu.memory_space<vmem>>, vector<16xf32>,
      %get3A_96 = arith.index_cast %scan3A_55 : i32 to index
      %get3A_97 = arith.constant 80 : index
      %get3A_98 = tpu.vector_load %arg16[%get3A_96, %get3A_97] {strides = array<i32>} : memref<32x160xf32, #tpu.memory_space<vmem>>, vector<16xf32>,
      %mul3A_99 = arith.mulf %get3A_98, %gather3A : vector<16xf32>
      %swap3A_100 = arith.index_cast %scan3A_55 : i32 to index
      %swap3A_101 = arith.constant 80 : index
      %swap3A_102 = tpu.vector_load %arg16[%swap3A_100, %swap3A_101] {strides = array<i32>} : memref<32x160xf32, #tpu.memory_space<vmem>>, vector<16xf32>,
      tpu.vector_store %arg16[%swap3A_100, %swap3A_101], %mul3A_99 {strides = array<i32>} : memref<32x160xf32, #tpu.memory_space<vmem>>, vector<16xf32>,
      %get3A_103 = arith.index_cast %scan3A_55 : i32 to index
      %get3A_104 = arith.constant 96 : index
      %get3A_105 = tpu.vector_load %arg16[%get3A_103, %get3A_104] {strides = array<i32>} : memref<32x160xf32, #tpu.memory_space<vmem>>, vector<16xf32>,
      %mul3A_106 = arith.mulf %get3A_105, %gather3A : vector<16xf32>
      %swap3A_107 = arith.index_cast %scan3A_55 : i32 to index
      %swap3A_108 = arith.constant 96 : index
      %swap3A_109 = tpu.vector_load %arg16[%swap3A_107, %swap3A_108] {strides = array<i32>} : memref<32x160xf32, #tpu.memory_space<vmem>>, vector<16xf32>,
      tpu.vector_store %arg16[%swap3A_107, %swap3A_108], %mul3A_106 {strides = array<i32>} : memref<32x160xf32, #tpu.memory_space<vmem>>, vector<16xf32>,
      %get3A_110 = arith.index_cast %scan3A_55 : i32 to index
      %get3A_111 = arith.constant 112 : index
      %get3A_112 = tpu.vector_load %arg16[%get3A_110, %get3A_111] {strides = array<i32>} : memref<32x160xf32, #tpu.memory_space<vmem>>, vector<16xf32>,
      %mul3A_113 = arith.mulf %get3A_112, %gather3A : vector<16xf32>
      %swap3A_114 = arith.index_cast %scan3A_55 : i32 to index
      %swap3A_115 = arith.constant 112 : index
      %swap3A_116 = tpu.vector_load %arg16[%swap3A_114, %swap3A_115] {strides = array<i32>} : memref<32x160xf32, #tpu.memory_space<vmem>>, vector<16xf32>,
      tpu.vector_store %arg16[%swap3A_114, %swap3A_115], %mul3A_113 {strides = array<i32>} : memref<32x160xf32, #tpu.memory_space<vmem>>, vector<16xf32>,
      %get3A_117 = arith.index_cast %scan3A_55 : i32 to index
      %get3A_118 = arith.constant 128 : index
      %get3A_119 = tpu.vector_load %arg16[%get3A_117, %get3A_118] {strides = array<i32>} : memref<32x160xf32, #tpu.memory_space<vmem>>, vector<16xf32>,
      %mul3A_120 = arith.mulf %get3A_119, %gather3A : vector<16xf32>
      %swap3A_121 = arith.index_cast %scan3A_55 : i32 to index
      %swap3A_122 = arith.constant 128 : index
      %swap3A_123 = tpu.vector_load %arg16[%swap3A_121, %swap3A_122] {strides = array<i32>} : memref<32x160xf32, #tpu.memory_space<vmem>>, vector<16xf32>,
      tpu.vector_store %arg16[%swap3A_121, %swap3A_122], %mul3A_120 {strides = array<i32>} : memref<32x160xf32, #tpu.memory_space<vmem>>, vector<16xf32>,
      %get3A_124 = arith.index_cast %scan3A_55 : i32 to index
      %get3A_125 = arith.constant 144 : index
      %get3A_126 = tpu.vector_load %arg16[%get3A_124, %get3A_125] {strides = array<i32>} : memref<32x160xf32, #tpu.memory_space<vmem>>, vector<16xf32>,
      %mul3A_127 = arith.mulf %get3A_126, %gather3A : vector<16xf32>
      %swap3A_128 = arith.index_cast %scan3A_55 : i32 to index
      %swap3A_129 = arith.constant 144 : index
      %swap3A_130 = tpu.vector_load %arg16[%swap3A_128, %swap3A_129] {strides = array<i32>} : memref<32x160xf32, #tpu.memory_space<vmem>>, vector<16xf32>,
      tpu.vector_store %arg16[%swap3A_128, %swap3A_129], %mul3A_127 {strides = array<i32>} : memref<32x160xf32, #tpu.memory_space<vmem>>, vector<16xf32>,
      %scan3A_131 = arith.constant 0 : i32
      scf.yield %scan3A_131 : i32
    }
    %scan3A_54 = arith.constant 32 : i32
    "tpu.region"() ({
      %run_scoped3A = tpu.sem_alloc : memref<!tpu.dma_semaphore, #tpu.memory_space<semaphore_mem>>
      %dma_start3A_55 = arith.constant 0 : i32
      %dma_start3A_56 = tpu.memref_slice %arg6[%mul3A_2, %dma_start3A_55] : memref<1024x160xf32, #tpu.memory_space<hbm>> -> memref<32x160xf32, #tpu.memory_space<hbm>>
      %dma_start3A_57 = arith.constant 0 : i32
      %dma_start3A_58 = tpu.memref_slice %arg6[%mul3A_2, %dma_start3A_57] : memref<1024x160xf32, #tpu.memory_space<hbm>> -> memref<32x160xf32, #tpu.memory_space<hbm>>
      tpu.enqueue_dma source(%arg14 : memref<32x160xf32, #tpu.memory_space<vmem>>) target(%dma_start3A_58 : memref<32x160xf32, #tpu.memory_space<hbm>>) target_semaphore(%run_scoped3A : memref<!tpu.dma_semaphore, #tpu.memory_space<semaphore_mem>>)
      %dma_wait3A_59 = arith.constant 0 : i32
      %dma_wait3A_60 = tpu.memref_slice %arg6[%mul3A_2, %dma_wait3A_59] : memref<1024x160xf32, #tpu.memory_space<hbm>> -> memref<32x160xf32, #tpu.memory_space<hbm>>
      %dma_wait3A_61 = arith.constant 0 : i32
      %dma_wait3A_62 = tpu.memref_slice %arg6[%mul3A_2, %dma_wait3A_61] : memref<1024x160xf32, #tpu.memory_space<hbm>> -> memref<32x160xf32, #tpu.memory_space<hbm>>
      tpu.wait_dma2 semaphore(%run_scoped3A : memref<!tpu.dma_semaphore, #tpu.memory_space<semaphore_mem>>) src(%arg14 : memref<32x160xf32, #tpu.memory_space<vmem>>) dst(%dma_wait3A_62 : memref<32x160xf32, #tpu.memory_space<hbm>>)
      tpu.yield
    }) : () -> ()
    "tpu.region"() ({
      %run_scoped3A = tpu.sem_alloc : memref<!tpu.dma_semaphore, #tpu.memory_space<semaphore_mem>>
      %dma_start3A_55 = arith.constant 0 : i32
      %dma_start3A_56 = tpu.memref_slice %arg7[%mul3A_2, %dma_start3A_55] : memref<1024x16xf32, #tpu.memory_space<hbm>> -> memref<32x16xf32, #tpu.memory_space<hbm>>
      %dma_start3A_57 = arith.constant 0 : i32
      %dma_start3A_58 = tpu.memref_slice %arg7[%mul3A_2, %dma_start3A_57] : memref<1024x16xf32, #tpu.memory_space<hbm>> -> memref<32x16xf32, #tpu.memory_space<hbm>>
      tpu.enqueue_dma source(%arg15 : memref<32x16xf32, #tpu.memory_space<vmem>>) target(%dma_start3A_58 : memref<32x16xf32, #tpu.memory_space<hbm>>) target_semaphore(%run_scoped3A : memref<!tpu.dma_semaphore, #tpu.memory_space<semaphore_mem>>)
      %dma_wait3A_59 = arith.constant 0 : i32
      %dma_wait3A_60 = tpu.memref_slice %arg7[%mul3A_2, %dma_wait3A_59] : memref<1024x16xf32, #tpu.memory_space<hbm>> -> memref<32x16xf32, #tpu.memory_space<hbm>>
      %dma_wait3A_61 = arith.constant 0 : i32
      %dma_wait3A_62 = tpu.memref_slice %arg7[%mul3A_2, %dma_wait3A_61] : memref<1024x16xf32, #tpu.memory_space<hbm>> -> memref<32x16xf32, #tpu.memory_space<hbm>>
      tpu.wait_dma2 semaphore(%run_scoped3A : memref<!tpu.dma_semaphore, #tpu.memory_space<semaphore_mem>>) src(%arg15 : memref<32x16xf32, #tpu.memory_space<vmem>>) dst(%dma_wait3A_62 : memref<32x16xf32, #tpu.memory_space<hbm>>)
      tpu.yield
    }) : () -> ()
    "tpu.region"() ({
      %run_scoped3A = tpu.sem_alloc : memref<!tpu.dma_semaphore, #tpu.memory_space<semaphore_mem>>
      %dma_start3A_55 = arith.constant 0 : i32
      %dma_start3A_56 = tpu.memref_slice %arg8[%mul3A_2, %dma_start3A_55] : memref<1024x160xf32, #tpu.memory_space<hbm>> -> memref<32x160xf32, #tpu.memory_space<hbm>>
      %dma_start3A_57 = arith.constant 0 : i32
      %dma_start3A_58 = tpu.memref_slice %arg8[%mul3A_2, %dma_start3A_57] : memref<1024x160xf32, #tpu.memory_space<hbm>> -> memref<32x160xf32, #tpu.memory_space<hbm>>
      tpu.enqueue_dma source(%arg16 : memref<32x160xf32, #tpu.memory_space<vmem>>) target(%dma_start3A_58 : memref<32x160xf32, #tpu.memory_space<hbm>>) target_semaphore(%run_scoped3A : memref<!tpu.dma_semaphore, #tpu.memory_space<semaphore_mem>>)
      %dma_wait3A_59 = arith.constant 0 : i32
      %dma_wait3A_60 = tpu.memref_slice %arg8[%mul3A_2, %dma_wait3A_59] : memref<1024x160xf32, #tpu.memory_space<hbm>> -> memref<32x160xf32, #tpu.memory_space<hbm>>
      %dma_wait3A_61 = arith.constant 0 : i32
      %dma_wait3A_62 = tpu.memref_slice %arg8[%mul3A_2, %dma_wait3A_61] : memref<1024x160xf32, #tpu.memory_space<hbm>> -> memref<32x160xf32, #tpu.memory_space<hbm>>
      tpu.wait_dma2 semaphore(%run_scoped3A : memref<!tpu.dma_semaphore, #tpu.memory_space<semaphore_mem>>) src(%arg16 : memref<32x160xf32, #tpu.memory_space<vmem>>) dst(%dma_wait3A_62 : memref<32x160xf32, #tpu.memory_space<hbm>>)
      tpu.yield
    }) : () -> ()
    "tpu.region"() ({
      %run_scoped3A = tpu.sem_alloc : memref<!tpu.dma_semaphore, #tpu.memory_space<semaphore_mem>>
      %dma_start3A_55 = arith.constant 0 : i32
      %dma_start3A_56 = tpu.memref_slice %arg9[%mul3A_2, %dma_start3A_55] : memref<1024x8xf32, #tpu.memory_space<hbm>> -> memref<32x8xf32, #tpu.memory_space<hbm>>
      %dma_start3A_57 = arith.constant 0 : i32
      %dma_start3A_58 = tpu.memref_slice %arg9[%mul3A_2, %dma_start3A_57] : memref<1024x8xf32, #tpu.memory_space<hbm>> -> memref<32x8xf32, #tpu.memory_space<hbm>>
      tpu.enqueue_dma source(%arg17 : memref<32x8xf32, #tpu.memory_space<vmem>>) target(%dma_start3A_58 : memref<32x8xf32, #tpu.memory_space<hbm>>) target_semaphore(%run_scoped3A : memref<!tpu.dma_semaphore, #tpu.memory_space<semaphore_mem>>)
      %dma_wait3A_59 = arith.constant 0 : i32
      %dma_wait3A_60 = tpu.memref_slice %arg9[%mul3A_2, %dma_wait3A_59] : memref<1024x8xf32, #tpu.memory_space<hbm>> -> memref<32x8xf32, #tpu.memory_space<hbm>>
      %dma_wait3A_61 = arith.constant 0 : i32
      %dma_wait3A_62 = tpu.memref_slice %arg9[%mul3A_2, %dma_wait3A_61] : memref<1024x8xf32, #tpu.memory_space<hbm>> -> memref<32x8xf32, #tpu.memory_space<hbm>>
      tpu.wait_dma2 semaphore(%run_scoped3A : memref<!tpu.dma_semaphore, #tpu.memory_space<semaphore_mem>>) src(%arg17 : memref<32x8xf32, #tpu.memory_space<vmem>>) dst(%dma_wait3A_62 : memref<32x8xf32, #tpu.memory_space<hbm>>)
      tpu.yield
    }) : () -> ()
    return
  }
}

module attributes {stable_mosaic.version = 14 : i64} {
  func.func @_tr_body(%arg0: i32, %arg1: memref<8x2048xf32, #tpu.memory_space<vmem>>, %arg2: memref<2048x8xf32, #tpu.memory_space<vmem>>) attributes {dimension_semantics = [#tpu.dimension_semantics<arbitrary>], iteration_bounds = array<i64: 49>, scalar_prefetch = 0 : i64, scratch_operands = 0 : i64, tpu.core_type = #tpu.core_type<tc>, window_params = [{transform_indices = @transform_0, window_bounds = array<i64: 8, 2048>}, {transform_indices = @transform_1, window_bounds = array<i64: 2048, 8>}]} {
    %get3A = arith.constant 0 : index
    %get3A_0 = arith.constant 0 : index
    %get3A_1 = vector.load %arg1[%get3A, %get3A_0] : memref<8x2048xf32, #tpu.memory_space<vmem>>, vector<8x2048xf32>
    %transpose3A = tpu.transpose %get3A_1, [1, 0] : vector<8x2048xf32> -> vector<2048x8xf32>
    %swap3A = arith.constant 0 : index
    %swap3A_2 = arith.constant 0 : index
    %swap3A_3 = vector.load %arg2[%swap3A, %swap3A_2] : memref<2048x8xf32, #tpu.memory_space<vmem>>, vector<2048x8xf32>
    tpu.vector_store %arg2[%swap3A, %swap3A_2], %transpose3A {strides = array<i32>} : memref<2048x8xf32, #tpu.memory_space<vmem>>, vector<2048x8xf32>,
    return
  }
  func.func @transform_0(%arg0: i32) -> (i32, i32) {
    %c0_i32 = arith.constant 0 : i32
    %c0_i32_0 = arith.constant 0 : i32
    return %c0_i32, %arg0 : i32, i32
  }
  func.func @transform_1(%arg0: i32) -> (i32, i32) {
    %c0_i32 = arith.constant 0 : i32
    %c0_i32_0 = arith.constant 0 : i32
    return %arg0, %c0_i32 : i32, i32
  }
}

module attributes {stable_mosaic.version = 14 : i64} {
  func.func @_tr_body(%arg0: i32, %arg1: memref<160x2048xf32, #tpu.memory_space<vmem>>, %arg2: memref<2048x160xf32, #tpu.memory_space<vmem>>) attributes {dimension_semantics = [#tpu.dimension_semantics<arbitrary>], iteration_bounds = array<i64: 49>, scalar_prefetch = 0 : i64, scratch_operands = 0 : i64, tpu.core_type = #tpu.core_type<tc>, window_params = [{transform_indices = @transform_0, window_bounds = array<i64: 160, 2048>}, {transform_indices = @transform_1, window_bounds = array<i64: 2048, 160>}]} {
    %get3A = arith.constant 0 : index
    %get3A_0 = arith.constant 0 : index
    %get3A_1 = vector.load %arg1[%get3A, %get3A_0] : memref<160x2048xf32, #tpu.memory_space<vmem>>, vector<160x2048xf32>
    %transpose3A = tpu.transpose %get3A_1, [1, 0] : vector<160x2048xf32> -> vector<2048x160xf32>
    %swap3A = arith.constant 0 : index
    %swap3A_2 = arith.constant 0 : index
    %swap3A_3 = vector.load %arg2[%swap3A, %swap3A_2] : memref<2048x160xf32, #tpu.memory_space<vmem>>, vector<2048x160xf32>
    tpu.vector_store %arg2[%swap3A, %swap3A_2], %transpose3A {strides = array<i32>} : memref<2048x160xf32, #tpu.memory_space<vmem>>, vector<2048x160xf32>,
    return
  }
  func.func @transform_0(%arg0: i32) -> (i32, i32) {
    %c0_i32 = arith.constant 0 : i32
    %c0_i32_0 = arith.constant 0 : i32
    return %c0_i32, %arg0 : i32, i32
  }
  func.func @transform_1(%arg0: i32) -> (i32, i32) {
    %c0_i32 = arith.constant 0 : i32
    %c0_i32_0 = arith.constant 0 : i32
    return %arg0, %c0_i32 : i32, i32
  }
}

module attributes {stable_mosaic.version = 14 : i64} {
  func.func @_mlp_body(%arg0: memref<1024x340xf32, #tpu.memory_space<vmem>>, %arg1: memref<200x340xf32, #tpu.memory_space<vmem>>, %arg2: memref<1x200xf32, #tpu.memory_space<vmem>>, %arg3: memref<80x200xf32, #tpu.memory_space<vmem>>, %arg4: memref<1x80xf32, #tpu.memory_space<vmem>>, %arg5: memref<8x80xf32, #tpu.memory_space<vmem>>, %arg6: memref<1x8xf32, #tpu.memory_space<vmem>>, %arg7: memref<1024x8xf32, #tpu.memory_space<vmem>>) attributes {dimension_semantics = [], scalar_prefetch = 0 : i64, scratch_operands = 0 : i64, tpu.core_type = #tpu.core_type<tc>} {
    %get3A = arith.constant 0 : index
    %get3A_0 = arith.constant 0 : index
    %get3A_1 = vector.load %arg0[%get3A, %get3A_0] : memref<1024x340xf32, #tpu.memory_space<vmem>>, vector<1024x340xf32>
    %get3A_2 = arith.constant 0 : index
    %get3A_3 = arith.constant 0 : index
    %get3A_4 = vector.load %arg1[%get3A_2, %get3A_3] : memref<200x340xf32, #tpu.memory_space<vmem>>, vector<200x340xf32>
    %dot_general3A = arith.constant dense<0.000000e+00> : vector<1024x200xf32>
    %dot_general3A_5 = tpu.matmul %get3A_1, %get3A_4, %dot_general3A {dimension_numbers = #tpu.dot_dimension_numbers<[1], [1], [0], [0], [0, 0, 1, 0], [], []>, transpose_lhs_hint = false} : vector<1024x340xf32>, vector<200x340xf32>, vector<1024x200xf32> -> vector<1024x200xf32>
    %get3A_6 = arith.constant 0 : index
    %get3A_7 = arith.constant 0 : index
    %get3A_8 = vector.load %arg2[%get3A_6, %get3A_7] : memref<1x200xf32, #tpu.memory_space<vmem>>, vector<1x200xf32>
    %add3A = vector.broadcast %get3A_8 : vector<1x200xf32> to vector<1024x200xf32>
    %add3A_9 = arith.addf %dot_general3A_5, %add3A : vector<1024x200xf32>
    %max3A = arith.constant 0.000000e+00 : f32
    %max3A_10 = vector.broadcast %max3A : f32 to vector<1024x200xf32>
    %max3A_11 = arith.maximumf %add3A_9, %max3A_10 : vector<1024x200xf32>
    %get3A_12 = arith.constant 0 : index
    %get3A_13 = arith.constant 0 : index
    %get3A_14 = vector.load %arg3[%get3A_12, %get3A_13] : memref<80x200xf32, #tpu.memory_space<vmem>>, vector<80x200xf32>
    %dot_general3A_15 = arith.constant dense<0.000000e+00> : vector<1024x80xf32>
    %dot_general3A_16 = tpu.matmul %max3A_11, %get3A_14, %dot_general3A_15 {dimension_numbers = #tpu.dot_dimension_numbers<[1], [1], [0], [0], [0, 0, 1, 0], [], []>, transpose_lhs_hint = false} : vector<1024x200xf32>, vector<80x200xf32>, vector<1024x80xf32> -> vector<1024x80xf32>
    %get3A_17 = arith.constant 0 : index
    %get3A_18 = arith.constant 0 : index
    %get3A_19 = vector.load %arg4[%get3A_17, %get3A_18] : memref<1x80xf32, #tpu.memory_space<vmem>>, vector<1x80xf32>
    %add3A_20 = vector.broadcast %get3A_19 : vector<1x80xf32> to vector<1024x80xf32>
    %add3A_21 = arith.addf %dot_general3A_16, %add3A_20 : vector<1024x80xf32>
    %max3A_22 = arith.constant 0.000000e+00 : f32
    %max3A_23 = vector.broadcast %max3A_22 : f32 to vector<1024x80xf32>
    %max3A_24 = arith.maximumf %add3A_21, %max3A_23 : vector<1024x80xf32>
    %get3A_25 = arith.constant 0 : index
    %get3A_26 = arith.constant 0 : index
    %get3A_27 = vector.load %arg5[%get3A_25, %get3A_26] : memref<8x80xf32, #tpu.memory_space<vmem>>, vector<8x80xf32>
    %dot_general3A_28 = arith.constant dense<0.000000e+00> : vector<1024x8xf32>
    %dot_general3A_29 = tpu.matmul %max3A_24, %get3A_27, %dot_general3A_28 {dimension_numbers = #tpu.dot_dimension_numbers<[1], [1], [0], [0], [0, 0, 1, 0], [], []>, transpose_lhs_hint = false} : vector<1024x80xf32>, vector<8x80xf32>, vector<1024x8xf32> -> vector<1024x8xf32>
    %get3A_30 = arith.constant 0 : index
    %get3A_31 = arith.constant 0 : index
    %get3A_32 = vector.load %arg6[%get3A_30, %get3A_31] : memref<1x8xf32, #tpu.memory_space<vmem>>, vector<1x8xf32>
    %add3A_33 = vector.broadcast %get3A_32 : vector<1x8xf32> to vector<1024x8xf32>
    %add3A_34 = arith.addf %dot_general3A_29, %add3A_33 : vector<1024x8xf32>
    %swap3A = arith.constant 0 : index
    %swap3A_35 = arith.constant 0 : index
    %swap3A_36 = vector.load %arg7[%swap3A, %swap3A_35] : memref<1024x8xf32, #tpu.memory_space<vmem>>, vector<1024x8xf32>
    tpu.vector_store %arg7[%swap3A, %swap3A_35], %add3A_34 {strides = array<i32>} : memref<1024x8xf32, #tpu.memory_space<vmem>>, vector<1024x8xf32>,
    return
  }
}

</mosaic_0001>

<sc_bundles>
// kernel: kernel.6.cloned.1.call-start
scs
__scs_entry_jumppad:
0x0: {  	(pc) =	sbr.rel $0x88, $3  }
0x1: {  	(tag) =	ssettag $0x0;
	lr =	simm.s32 $0x1  }
0x2: {  	[smem:$0x3F96] =	sst lr;
	_ =	strace $0xD0000000  }
0x3: {  	_ = 	snop  }
0x4: {  	_ = 	snop  }
0x5: {  	_ = 	snop  }
0x6: {  	_ = 	snop  }
0x7: {  	_ = 	snop  }
__scs_overlays_trampoline_lowered:
0x8: {  	[smem:$0x3FA5] =	sst s0  }
0x9: {  	[smem:$0x3FA6] =	sst s1  }
0xa: {  	[smem:$0x3FA7] =	sst s2  }
0xb: {  	[smem:$0x3FA8] =	sst s3  }
0xc: {  	[smem:$0x3FA9] =	sst s4  }
0xd: {  	[smem:$0x3FAA] =	sst s5  }
0xe: {  	[smem:$0x3FAB] =	sst s6  }
0xf: {  	[smem:$0x3FAC] =	sst s7  }
0x10: {  	[smem:$0x3FAD] =	sst s8  }
0x11: {  	[smem:$0x3FAE] =	sst s9;
	s0 =	simm.s32 @!p0 $0x0  }
0x12: {  	s1 =	sld [smem:$0x3F94];
	s0 =	simm.s32 @p0 $0x1  }
0x13: {  	[smem:$0x3FAF] =	sst s0;
	s0 =	simm.s32 @!p1 $0x0  }
0x14: {  	s2 =	sld [smem:$0x3F93];
	s0 =	simm.s32 @p1 $0x1  }
0x15: {  	[smem:$0x3FB0] =	sst s0;
	s0 =	simm.s32 @!p2 $0x0  }
0x16: {  	s3 =	sld [smem:$0x3FDB];
	s0 =	simm.s32 @p2 $0x1  }
0x17: {  	s4 =	simm.s32 $0x1BF5;
	[smem:$0x3FB2] =	sst s0  }
0x18: {  	s0 =	sld [smem:$0x3F95];
	_ =	swait.ge [sflag:s4], $0x0  }
0x19: {  	s7 =	sld [smem:$0x3F96]  }
0x1a: {  	s8 =	sadd.s32 $0xFFFFE003, lr  }
0x1b: {  	s9 =	sadd.s32 $0xFFFFFEF7, lr;
	s5 =	simm.s32 $0xFFFFFFFF;
	p2 =	slt.u32 s8, $0xFFFFF086  }
0x1c: {  	p1 =	slt.u32 s9, $0xF7A;
	s5 =	simm.s32 @!p2 $0x0  }
0x1d: {  	s5 =	simm.s32 @p1 $0x1;
	p0 =	seq.s32 s7, s2  }
0x1e: {  	s7 =	smul.u32 @!p0 $0xF7A, s2;
	p2 =	seq.s32 @!p0 s5, $0x0  }
0x1f: {  	s9 =	smul.u32 $0xF7A, s1;
	s8 =	simm.s32 @!p0 $0x1BF5;
	p2 =	por !p2, p0  }
0x20: {  	[sflag:s8] =	ssyncset.s32 @!p0 $0xFFFFF086;
	s6 =	sadd.s32 @!p0 s3, s7;
	s7 =	simm.s32 @!p0 $0x108  }
0x21: {  	s3 =	sadd.s32 s3, s9;
	s6 =	sadd.s32 @!p0 $0x88, s6;
	s7 =	simm.s32 @p2 $0x1082  }
0x22: {  	[simem:s7], [sflag:s8] =	dma.local @!p0 [hbm:s6], $0xF7A  }
0x23: {  	s9 =	sor.u32 $0xD0000000, s2;
	s6 =	simm.s32 $0x108;
	_ =	swait.ge @!p0 [sflag:s8], $0x0  }
0x24: {  	s3 =	sadd.s32 $0x88, s3;
	s6 =	simm.s32 @!p1 $0x1082;
	[sflag:s4] =	ssyncset.s32 $0xFFFFF086  }
0x25: {  	[simem:s6], [sflag:s4] =	dma.local [hbm:s3], $0xF7A  }
0x26: {  	[smem:$0x3F96] =	sst s1;
	(tag) =	ssettag s2;
	_ =	strace s9  }
0x27: {  	s1 =	sld [smem:$0x3FA6]  }
0x28: {  	s2 =	sld [smem:$0x3FA7]  }
0x29: {  	s4 =	sld [smem:$0x3FA9]  }
0x2a: {  	p0 =	seq.s32 s5, $0x0;
	s5 =	sld [smem:$0x3FAA]  }
0x2b: {  	s6 =	sld [smem:$0x3FAB]  }
0x2c: {  	s7 =	sld [smem:$0x3FAC]  }
0x2d: {  	s3 =	simm.s32 $0x108;
	s8 =	sld [smem:$0x3FAD]  }
0x2e: {  	s3 =	simm.s32 @!p0 $0x1082;
	s9 =	sld [smem:$0x3FAE]  }
0x2f: {  	lr =	sadd.s32 s0, s3;
	s0 =	sld [smem:$0x3FA5]  }
0x30: {  	s3 =	sld [smem:$0x3FA8]  }
0x31: {  	[smem:$0x3FB1] =	sst s10  }
0x32: {  	s10 =	sld [smem:$0x3FAF];
	_ =	sdelay $0x3  }
0x33: {  	p0 =	seq.s32 s10, $0x1;
	s10 =	sld [smem:$0x3FB1];
	_ =	sdelay $0x3  }
0x34: {  	[smem:$0x3FB1] =	sst s10  }
0x35: {  	s10 =	sld [smem:$0x3FB0];
	_ =	sdelay $0x3  }
0x36: {  	p1 =	seq.s32 s10, $0x1;
	s10 =	sld [smem:$0x3FB1];
	_ =	sdelay $0x3  }
0x37: {  	[smem:$0x3FB1] =	sst s10  }
0x38: {  	s10 =	sld [smem:$0x3FB2]  }
0x39: {  	_ = 	snop;
	(pc) =	sbr.ind lr, $3  }
0x3a: {  	_ = 	snop  }
0x3b: {  	_ = 	snop  }
0x3c: {  	p2 =	seq.s32 s10, $0x1;
	s10 =	sld [smem:$0x3FB1]  }
0x3d: {  	_ =	shalt  }
0x3e: {  	_ =	shalt  }
0x3f: {  	_ =	shalt  }
0x40: {  	_ =	shalt  }
0x41: {  	_ =	shalt  }
0x42: {  	_ =	shalt  }
0x43: {  	_ =	shalt  }
0x44: {  	_ =	shalt  }
0x45: {  	_ =	shalt  }
0x46: {  	_ =	shalt  }
0x47: {  	_ =	shalt  }
0x48: {  	_ =	shalt  }
0x49: {  	_ =	shalt  }
0x4a: {  	_ =	shalt  }
0x4b: {  	_ =	shalt  }
0x4c: {  	_ =	shalt  }
0x4d: {  	_ =	shalt  }
0x4e: {  	_ =	shalt  }
0x4f: {  	_ =	shalt  }
0x50: {  	_ =	shalt  }
0x51: {  	_ =	shalt  }
0x52: {  	_ =	shalt  }
0x53: {  	_ =	shalt  }
0x54: {  	_ =	shalt  }
0x55: {  	_ =	shalt  }
0x56: {  	_ =	shalt  }
0x57: {  	_ =	shalt  }
0x58: {  	_ =	shalt  }
0x59: {  	_ =	shalt  }
0x5a: {  	_ =	shalt  }
0x5b: {  	_ =	shalt  }
0x5c: {  	_ =	shalt  }
0x5d: {  	_ =	shalt  }
0x5e: {  	_ =	shalt  }
0x5f: {  	_ =	shalt  }
0x60: {  	_ =	shalt  }
0x61: {  	_ =	shalt  }
0x62: {  	_ =	shalt  }
0x63: {  	_ =	shalt  }
0x64: {  	_ =	shalt  }
0x65: {  	_ =	shalt  }
0x66: {  	_ =	shalt  }
0x67: {  	_ =	shalt  }
0x68: {  	_ =	shalt  }
0x69: {  	_ =	shalt  }
0x6a: {  	_ =	shalt  }
0x6b: {  	_ =	shalt  }
0x6c: {  	_ =	shalt  }
0x6d: {  	_ =	shalt  }
0x6e: {  	_ =	shalt  }
0x6f: {  	_ =	shalt  }
0x70: {  	_ =	shalt  }
0x71: {  	_ =	shalt  }
0x72: {  	_ =	shalt  }
0x73: {  	_ =	shalt  }
0x74: {  	_ =	shalt  }
0x75: {  	_ =	shalt  }
0x76: {  	_ =	shalt  }
0x77: {  	_ =	shalt  }
0x78: {  	_ =	shalt  }
0x79: {  	_ =	shalt  }
0x7a: {  	_ =	shalt  }
0x7b: {  	_ =	shalt  }
0x7c: {  	_ =	shalt  }
0x7d: {  	_ =	shalt  }
0x7e: {  	_ =	shalt  }
0x7f: {  	_ =	shalt  }
0x80: {  	_ =	shalt  }
0x81: {  	_ =	shalt  }
0x82: {  	_ =	shalt  }
0x83: {  	_ =	shalt  }
0x84: {  	_ =	shalt  }
0x85: {  	_ =	shalt  }
0x86: {  	_ =	shalt  }
0x87: {  	_ =	shalt  }
.Lfunc_end0:
.L_simem_size_0:
called_computation_lowered:
.L_overlay_start_0:
0x88: {  	s2 =	sld [smem:$0x3FD9]  }
0x89: {  	s3 =	sld [smem:$0x3FFE];
	_ =	sdelay $0x1  }
0x8a: {  	s1 =	srdreg.scid  }
0x8b: {  	s0 =	sand.u32 $0x1, s1  }
0x8c: {  	s17 =	sshll.u32 s0, $0xA;
	s2 =	sadd.s32 s3, s2  }
0x8d: {  	s2 =	sadd.s32 s2, s17  }
0x8e: {  	[smem:$0x3FBD] =	sst s2  }
0x8f: {  	_ = 	snop  }
0x90: {  	s2 =	sld [smem:$0x3FC7];
	(tm) =	ssettm $0x1  }
0x91: {  	s18 =	sld [smem:$0x3FFB];
	_ =	sdelay $0x3  }
0x92: {  	_ =	strace s18  }
0x93: {  	s3 =	sld [smem:$0x3FFC];
	_ =	sdelay $0x3  }
0x94: {  	_ =	strace s3  }
0x95: {  	s3 =	sld [smem:$0x3FFD];
	_ =	sdelay $0x3  }
0x96: {  	_ =	strace s3  }
0x97: {  	_ =	strace $0x8FFFFFFF  }
0x98: {  	s19 =	sld [smem:$0x3FDB];
	_ =	sdelay $0x1  }
0x99: {  	s4 =	simm.s32 $_scs_section_size  }
0x9a: {  	s5 =	simm.s32 $_size__tile_overlayer_lowered;
	s6 =	simm.s32 $_tile_overlayer_lowered  }
0x9b: {  	s22 =	simm.s32 $0x1BFF;
	s21 =	sshll.u32 s6, $0x1;
	s3 =	sadd.s32 s4, s19  }
0x9c: {  	s7 =	simm.s32 $0x0;
	s20 =	sshll.u32 s5, $0x1;
	s5 =	sadd.s32 s21, s3  }
0x9d: {  	[timem:s7], [sflag:s22] =	dma.local [hbm:s5], s20  }
0x9e: {  	_ =	swait.ge [sflag:s22], s20  }
0x9f: {  	s4 =	ssub.s32 $0x0, s20;
	[sflag:s22] =	ssyncset.done $0x0  }
0xa0: {  	[sflag:s22] =	ssyncadd.s32 s4;
	_ =	sdelay $0x1  }
0xa1: {  	s23 =	simm.s32 $0x1B8B  }
0xa2: {  	_ =	swait.ge [sflag:s23], $0x1  }
0xa3: {  	[sflag:s23] =	ssyncset.done $0x0  }
0xa4: {  	s25 =	simm.s32 $0x1B8E;
	s24 =	sld [smem:$0x3FFE];
	[sflag:s23] =	ssyncadd.s32 $0xFFFFFFFF  }
0xa5: {  	s26 =	simm.s32 $execute0_lowered;
	[smem:$0x3FD2] =	sst s25  }
0xa6: {  	s5 =	sshll.u32 s26, $0x1;
	_ =	strace $0x80000046;
	[dreg:$0x1] =	wrdreg $0xFFFFFFFF  }
0xa7: {  	s28 =	simm.s32 $_size_execute0_lowered;
	s3 =	sadd.s32 s3, s5;
	[dreg:$0x0] =	wrdreg $0x0  }
0xa8: {  	s5 =	sshll.u32 s28, $0x1;
	[dreg:$0x2] =	wrdreg s3  }
0xa9: {  	[dreg:$0x3] =	wrdreg s5  }
0xaa: {  	[dreg:$0x4] =	wrdreg $0xC0  }
0xab: {  	_ =	task [dreg:s7], $0x5FFFF  }
0xac: {  	[dreg:$0x1] =	wrdreg $0xFFFFFFFF  }
0xad: {  	[dreg:$0x0] =	wrdreg $0x60  }
0xae: {  	[dreg:$0x2] =	wrdreg s24  }
0xaf: {  	[dreg:$0x3] =	wrdreg s2  }
0xb0: {  	[dreg:$0x4] =	wrdreg $0x9  }
0xb1: {  	_ =	task.clear_ibuf [dreg:s7], $0x5FFFF;
	_ =	strace $0x90000046  }
0xb2: {  	s29 =	simm.s32 $0x9;
	_ =	strace $0x80000048  }
0xb3: {  	_ =	swait.ge [sflag:s29], $0x1  }
0xb4: {  	[sflag:s29] =	ssyncadd.s32 $0xFFFFFFFF  }
0xb5: {  	_ =	strace $0x90000048  }
0xb6: {  	_ =	sfence  }
0xb7: {  	s30 =	sld [smem:$0x0];
	_ =	sdelay $0x2  }
0xb8: {  	s31 =	sshll.u32 s1, $0xD;
	s1 =	sshrl.u32 s1, $0x2  }
0xb9: {  	s3 =	sand.u32 $0x4000, s31;
	s1 =	sadd.s32 s1, s30  }
0xba: {  	s0 =	sor.u32 s3, s0;
	s1 =	sshll.u32 s1, $0x11  }
0xbb: {  	s0 =	sor.u32 s1, s0  }
0xbc: {  	s0 =	sadd.s32 $0x8F2B, s0  }
0xbd: {  	[sflag:s0] =	ssyncadd.remote.s32 $0x1  }
0xbe: {  	_ =	sfence.sel $0xFFFF  }
0xbf: {  	[dreg:$0x0] =	wrdreg $0xFFFFFFFF;
	(pc) =	sbr.abs _section_cstart, $3  }
0xc0: {  	[dreg:$0x1] =	wrdreg $0xFFFFFFFF  }
0xc1: {  	_ =	task.clear_ibuf [dreg:s7], $0x2FFFF;
	_ =	strace $0x9FFFFFFF  }
0xc2: {  	(tm) =	ssettm $0x7FFFFFFF  }
0xc3: {  	_ =	shalt  }
tec
execute0_lowered:
.L_overlay_start_1:
0x0: {  	(tag) =	ssettag $0x1  }
0x1: {  	s0 =	srdreg.scid;
	s1 =	rddreg [dreg:$0x0]  }
0x2: {  	s2 =	stileid.u32;
	s6 =	rddreg [dreg:$0x1]  }
0x3: {  	s12 =	simm.s32 $0x2;
	s13 =	simm.s32 $0x1900;
	s14 =	simm.s32 $0xB260  }
0x4: {  	s16 =	simm.s32 $0x1;
	s17 =	simm.s32 $0xC660;
	s18 =	simm.s32 $0x28  }
0x5: {  	s19 =	simm.s32 $0x1920;
	s20 =	simm.s32 $0x9620;
	s21 =	simm.s32 $0x3220  }
0x6: {  	s22 =	simm.s32 $0x9760;
	s23 =	simm.s32 $0x4B20;
	s24 =	simm.s32 $0x98A0  }
0x7: {  	s25 =	simm.s32 $0x6420;
	s26 =	simm.s32 $0x99E0;
	s28 =	simm.s32 $0x7D20  }
0x8: {  	s29 =	simm.s32 $0x9B20;
	s0 =	sand.u32 $0x1, s0;
	s2 =	sshll.u32 s2, $0x1  }
0x9: {  	s30 =	simm.s32 $0xC760;
	s4 =	sadd.s32 $0x188600, s1;
	s7 =	sor.u32 s0, s2  }
0xa: {  	s2 =	simm.s32 $0x0;
	s0 =	ssub.s32 $0x2, s0;
	s3 =	smul.u32 $0x320, s7  }
0xb: {  	v0 =	vimm.s32 $0xFEDCBA98;
	[smem:$0x7FF] =	sst s2;
	s8 =	sshll.u32 s7, $0x6;
	s9 =	smul.u32 $0x280, s7  }
0xc: {  	v1 =	vimm.s32 $0x76543210;
	v2 =	vunpack.c.l.s4.s8 v0;
	s10 =	sshll.u32 s7, $0x5;
	s31 =	sshrl.u32 s0, $0x1;
	s7 =	sshll.u32 s7, $0x2  }
0xd: {  	v0 =	vlaneseq.u32;
	v3 =	vunpack.c.l.s4.s8 v1;
	_ =	strace $0x80000047;
	s8 =	sadd.s32 s8, s1;
	s0 =	ssub.s32 s0, s31  }
0xe: {  	v1 =	vshrl.u32 v0, $0x3;
	v0 =	vand.u32 $0x7, v0;
	v5 =	vunpack.c.0.s8.s32 v2;
	s6 =	sadd.s32 s6, s7;
	s5 =	sadd.s32 s3, s1;
	s3 =	sadd.s32 $0x30F000, s1  }
0xf: {  	v2 =	vor.u32 $0x140, v0;
	v6 =	vunpack.c.0.s8.s32 v3;
	v3 =	vor.u32 $0x280, v0;
	s9 =	sadd.s32 s9, s1;
	s1 =	sadd.s32 s10, s1;
	s8 =	sadd.s32 $0x1B1200, s8  }
0x10: {  	v1 =	vmul.u32 $0x8, v1;
	v4 =	vor.u32 $0x3C0, v0;
	s11 =	smax.u32 s0, $0x1;
	v7 =	vand.u32 $0xF, v5;
	s5 =	sadd.s32 $0x1A0E00, s5;
	s7 =	sadd.s32 $0x1AC200, s9  }
0x11: {  	v5 =	vor.u32 $0x500, v0;
	s0 =	simm.s32 $0x0;
	s9 =	sadd.s32 $0x1A7200, s9;
	s10 =	sadd.s32 $0x1B1A00, s1;
	v6 =	vcombine.low v7, v6;
	v7 =	vimm.f32 $1.000000000e+00  }
.LBB2_1:
0x12: {  	[tilespmem:s2], [sflag:$0x2] =	stream.linear.gather [hbm4b:s5+s2], $0x1900, $0x38;
	[tilespmem:$0xC780] =	vst v63  }
0x13: {  	_ =	swait.ge [sflag:s12], $0x1900  }
0x14: {  	[sflag:s12] =	ssyncset.done $0x0  }
0x15: {  	[sflag:s12] =	ssyncadd.s32 $0xFFFFE700  }
0x16: {  	[tilespmem:s13], [sflag:$0x2] =	stream.linear.gather [hbm4b:s6+s2], $0x20, $0x38;
	[tilespmem:$0xC780] =	vst v63  }
0x17: {  	_ =	swait.ge [sflag:s12], $0x20  }
0x18: {  	[sflag:s12] =	ssyncset.done $0x0  }
0x19: {  	s1 =	simm.s32 $0x20;
	[sflag:s12] =	ssyncadd.s32 $0xFFFFFFE0  }
0x1a: {  	[tilespmem:s14], [sflag:$0x1] =	stream.indirect.gather [hbm4b:s3+s1], $0xA0, s13, s1, $0xb8;
	[tilespmem:$0xC780] =	vst v63  }
0x1b: {  	_ =	swait.ge [sflag:s16], $0x1400  }
0x1c: {  	[sflag:s16] =	ssyncset.done $0x0  }
0x1d: {  	[sflag:s16] =	ssyncadd.s32 $0xFFFFEC00  }
0x1e: {  	[tilespmem:s17], [sflag:$0x1] =	stream.indirect.gather [hbm4b:s4+s1], $0x8, s13, s1, $0xb8;
	[tilespmem:$0xC780] =	vst v63  }
0x1f: {  	_ =	swait.ge [sflag:s16], $0x100  }
0x20: {  	[sflag:s16] =	ssyncset.done $0x0  }
0x21: {  	s31 =	simm.s32 $0x0;
	[sflag:s16] =	ssyncadd.s32 $0xFFFFFF00  }
.LBB2_2:
0x22: {  	s1 =	smul.u32 $0x320, s31;
	_ =	sdelay $0x1  }
0x23: {  	s1 =	sshra.s32 s1, $0x2  }
0x24: {  	[tilespmem:s19], [sflag:$0x1] =	stream.indirect.gather [hbm4b:s3+s18], $0xA0, s1, s18, $0xb8;
	[tilespmem:$0xC780] =	vst v63  }
0x25: {  	_ = 	snop  }
0x26: {  	[tilespmem:s20], [sflag:$0x1] =	stream.indirect.gather [hbm4b:s4+s18], $0x8, s1, s18, $0xb8;
	[tilespmem:$0xC780] =	vst v63  }
0x27: {  	s14 =	sadd.s32 $0x28, s1  }
0x28: {  	[tilespmem:s21], [sflag:$0x1] =	stream.indirect.gather [hbm4b:s3+s18], $0xA0, s14, s18, $0xb8;
	[tilespmem:$0xC780] =	vst v63  }
0x29: {  	_ = 	snop  }
0x2a: {  	[tilespmem:s22], [sflag:$0x1] =	stream.indirect.gather [hbm4b:s4+s18], $0x8, s14, s18, $0xb8;
	[tilespmem:$0xC780] =	vst v63  }
0x2b: {  	s15 =	sadd.s32 $0x50, s1  }
0x2c: {  	[tilespmem:s23], [sflag:$0x1] =	stream.indirect.gather [hbm4b:s3+s18], $0xA0, s15, s18, $0xb8;
	[tilespmem:$0xC780] =	vst v63  }
0x2d: {  	_ = 	snop  }
0x2e: {  	[tilespmem:s24], [sflag:$0x1] =	stream.indirect.gather [hbm4b:s4+s18], $0x8, s15, s18, $0xb8;
	[tilespmem:$0xC780] =	vst v63  }
0x2f: {  	s15 =	sadd.s32 $0x78, s1  }
0x30: {  	[tilespmem:s25], [sflag:$0x1] =	stream.indirect.gather [hbm4b:s3+s18], $0xA0, s15, s18, $0xb8;
	[tilespmem:$0xC780] =	vst v63  }
0x31: {  	_ = 	snop  }
0x32: {  	[tilespmem:s26], [sflag:$0x1] =	stream.indirect.gather [hbm4b:s4+s18], $0x8, s15, s18, $0xb8;
	[tilespmem:$0xC780] =	vst v63  }
0x33: {  	s1 =	sadd.s32 $0xA0, s1  }
0x34: {  	[tilespmem:s28], [sflag:$0x1] =	stream.indirect.gather [hbm4b:s3+s18], $0xA0, s1, s18, $0xb8;
	[tilespmem:$0xC780] =	vst v63  }
0x35: {  	_ = 	snop  }
0x36: {  	[tilespmem:s29], [sflag:$0x1] =	stream.indirect.gather [hbm4b:s4+s18], $0x8, s1, s18, $0xb8;
	[tilespmem:$0xC780] =	vst v63  }
0x37: {  	_ =	swait.ge [sflag:s16], $0x1900  }
0x38: {  	[sflag:s16] =	ssyncset.done $0x0  }
0x39: {  	[sflag:s16] =	ssyncadd.s32 $0xFFFFE700  }
0x3a: {  	_ =	swait.ge [sflag:s16], $0x140  }
0x3b: {  	[sflag:s16] =	ssyncset.done $0x0  }
0x3c: {  	[sflag:s16] =	ssyncadd.s32 $0xFFFFFEC0  }
0x3d: {  	_ =	swait.ge [sflag:s16], $0x1900  }
0x3e: {  	[sflag:s16] =	ssyncset.done $0x0  }
0x3f: {  	[sflag:s16] =	ssyncadd.s32 $0xFFFFE700  }
0x40: {  	_ =	swait.ge [sflag:s16], $0x140  }
0x41: {  	[sflag:s16] =	ssyncset.done $0x0  }
0x42: {  	[sflag:s16] =	ssyncadd.s32 $0xFFFFFEC0  }
0x43: {  	_ =	swait.ge [sflag:s16], $0x1900  }
0x44: {  	[sflag:s16] =	ssyncset.done $0x0  }
0x45: {  	[sflag:s16] =	ssyncadd.s32 $0xFFFFE700  }
0x46: {  	_ =	swait.ge [sflag:s16], $0x140  }
0x47: {  	[sflag:s16] =	ssyncset.done $0x0  }
0x48: {  	[sflag:s16] =	ssyncadd.s32 $0xFFFFFEC0  }
0x49: {  	_ =	swait.ge [sflag:s16], $0x1900  }
0x4a: {  	[sflag:s16] =	ssyncset.done $0x0  }
0x4b: {  	[sflag:s16] =	ssyncadd.s32 $0xFFFFE700  }
0x4c: {  	_ =	swait.ge [sflag:s16], $0x140  }
0x4d: {  	[sflag:s16] =	ssyncset.done $0x0  }
0x4e: {  	[sflag:s16] =	ssyncadd.s32 $0xFFFFFEC0  }
0x4f: {  	_ =	swait.ge [sflag:s16], $0x1900  }
0x50: {  	[sflag:s16] =	ssyncset.done $0x0  }
0x51: {  	[sflag:s16] =	ssyncadd.s32 $0xFFFFE700  }
0x52: {  	_ =	swait.ge [sflag:s16], $0x140  }
0x53: {  	[sflag:s16] =	ssyncset.done $0x0  }
0x54: {  	s1 =	simm.s32 $0x0;
	[sflag:s16] =	ssyncadd.s32 $0xFFFFFEC0  }
0x55: {  	v8 =	vld [tilespmem:s1+$0x19B0]  }
0x56: {  	v9 =	vld [tilespmem:s1+$0x1920]  }
0x57: {  	v10 =	vld [tilespmem:s1+$0x1930]  }
0x58: {  	v11 =	vld [tilespmem:s1+$0x1940]  }
0x59: {  	v12 =	vld [tilespmem:s1+$0x1950]  }
0x5a: {  	v18 =	vld [tilespmem:s1+$0x1960]  }
0x5b: {  	v13 =	vimm.f32 $0.0e+00;
	v19 =	vld [tilespmem:s1+$0x1970]  }
0x5c: {  	v14 =	vimm.f32 $0.0e+00;
	v16 =	vimm.f32 $0.0e+00;
	v20 =	vld [tilespmem:s1+$0x1980];
	v8 =	vadd.f32 v8, v13  }
0x5d: {  	v17 =	vimm.f32 $0.0e+00;
	v21 =	vld [tilespmem:s1+$0x1990];
	v9 =	vadd.f32 v9, v13;
	v10 =	vadd.f32 v10, v13  }
0x5e: {  	v15 =	vimm.f32 $0.0e+00;
	s14 =	simm.s32 $0xA0;
	s15 =	simm.s32 $0x500;
	v22 =	vld [tilespmem:s1+$0x19A0];
	v11 =	vadd.f32 v11, v13;
	v12 =	vadd.f32 v12, v13  }
.LBB2_3:
0x5f: {  	p0 =	sne.s32 s15, $0x6180;
	v23 =	vld [tilespmem:s14+$0x19B0];
	v13 =	vadd.f32 v18, v13  }
0x60: {  	v24 =	vld [tilespmem:s14+$0x1920];
	v14 =	vadd.f32 v19, v14  }
0x61: {  	v25 =	vld [tilespmem:s14+$0x1930];
	v16 =	vadd.f32 v20, v16  }
0x62: {  	v26 =	vld [tilespmem:s14+$0x1940];
	v17 =	vadd.f32 v21, v17  }
0x63: {  	v27 =	vld [tilespmem:s14+$0x1950];
	v15 =	vadd.f32 v22, v15  }
.Ltmp0:
0x64: {  	v18 =	vld [tilespmem:s14+$0x1960];
	v8 =	vadd.f32 v23, v8;
	(pc) =	sbr.rel @p0 .LBB2_3-.Ltmp0, $4  }
0x65: {  	v9 =	vadd.f32 v24, v9;
	v19 =	vld [tilespmem:s14+$0x1970]  }
0x66: {  	v10 =	vadd.f32 v25, v10;
	v20 =	vld [tilespmem:s14+$0x1980]  }
0x67: {  	v11 =	vadd.f32 v26, v11;
	v21 =	vld [tilespmem:s14+$0x1990]  }
0x68: {  	v12 =	vadd.f32 v27, v12;
	v22 =	vld [tilespmem:s14+$0x19A0];
	s14 =	sshra.s32 s15, $0x2;
	s15 =	sadd.s32 $0x280, s15  }
0x69: {  	v23 =	vld [tilespmem:s14+$0x19B0]  }
0x6a: {  	v24 =	vld [tilespmem:s14+$0x1920]  }
0x6b: {  	v25 =	vld [tilespmem:s14+$0x1930]  }
0x6c: {  	v26 =	vld [tilespmem:s14+$0x1940]  }
0x6d: {  	v27 =	vld [tilespmem:s14+$0x1950]  }
0x6e: {  	v28 =	vld [tilespmem:s14+$0x1960]  }
0x6f: {  	v29 =	vld [tilespmem:s14+$0x1970]  }
0x70: {  	v30 =	vld [tilespmem:s14+$0x1980]  }
0x71: {  	v31 =	vld [tilespmem:s14+$0x1990]  }
0x72: {  	v32 =	vld [tilespmem:s14+$0x19A0]  }
0x73: {  	v13 =	vadd.f32 v18, v13;
	v33 =	vld [tilespmem:s1+$0x32B0];
	v14 =	vadd.f32 v19, v14  }
0x74: {  	v63 =	vld [tilespmem:s1+$0x3240];
	v16 =	vadd.f32 v20, v16;
	v17 =	vadd.f32 v21, v17  }
0x75: {  	v34 =	vld [tilespmem:s1+$0x3250];
	v15 =	vadd.f32 v22, v15;
	v20 =	vadd.f32 v23, v8  }
0x76: {  	v21 =	vld [tilespmem:s1+$0x3220];
	v23 =	vadd.f32 v24, v9;
	v62 =	vadd.f32 v25, v10  }
0x77: {  	v22 =	vld [tilespmem:s1+$0x3230];
	v26 =	vadd.f32 v26, v11;
	v27 =	vadd.f32 v27, v12  }
0x78: {  	v18 =	vld [tilespmem:s1+$0x3260];
	v11 =	vadd.f32 v28, v13;
	v8 =	vadd.f32 v29, v14  }
0x79: {  	v19 =	vld [tilespmem:s1+$0x3270];
	v12 =	vadd.f32 v30, v16;
	v9 =	vadd.f32 v31, v17  }
0x7a: {  	v13 =	vadd.f32 v32, v15;
	v10 =	vadd.f32 v33, v20;
	v20 =	vld [tilespmem:s1+$0x3280]  }
0x7b: {  	v16 =	vadd.f32 v63, v26;
	v14 =	vadd.f32 v21, v23;
	v21 =	vld [tilespmem:s1+$0x3290]  }
0x7c: {  	s14 =	simm.s32 $0xA0;
	s15 =	simm.s32 $0x500;
	v17 =	vadd.f32 v34, v27;
	v15 =	vadd.f32 v22, v62;
	v22 =	vld [tilespmem:s1+$0x32A0]  }
.LBB2_5:
0x7d: {  	p0 =	sne.s32 s15, $0x6180;
	v23 =	vld [tilespmem:s14+$0x32B0];
	v11 =	vadd.f32 v18, v11  }
0x7e: {  	v24 =	vld [tilespmem:s14+$0x3220];
	v8 =	vadd.f32 v19, v8  }
0x7f: {  	v25 =	vld [tilespmem:s14+$0x3230];
	v12 =	vadd.f32 v20, v12  }
0x80: {  	v26 =	vld [tilespmem:s14+$0x3240];
	v9 =	vadd.f32 v21, v9  }
0x81: {  	v27 =	vld [tilespmem:s14+$0x3250];
	v13 =	vadd.f32 v22, v13  }
.Ltmp1:
0x82: {  	v18 =	vld [tilespmem:s14+$0x3260];
	v10 =	vadd.f32 v23, v10;
	(pc) =	sbr.rel @p0 .LBB2_5-.Ltmp1, $4  }
0x83: {  	v14 =	vadd.f32 v24, v14;
	v19 =	vld [tilespmem:s14+$0x3270]  }
0x84: {  	v15 =	vadd.f32 v25, v15;
	v20 =	vld [tilespmem:s14+$0x3280]  }
0x85: {  	v16 =	vadd.f32 v26, v16;
	v21 =	vld [tilespmem:s14+$0x3290]  }
0x86: {  	v17 =	vadd.f32 v27, v17;
	v22 =	vld [tilespmem:s14+$0x32A0];
	s14 =	sshra.s32 s15, $0x2;
	s15 =	sadd.s32 $0x280, s15  }
0x87: {  	v23 =	vld [tilespmem:s14+$0x32B0]  }
0x88: {  	v24 =	vld [tilespmem:s14+$0x3220]  }
0x89: {  	v25 =	vld [tilespmem:s14+$0x3230]  }
0x8a: {  	v26 =	vld [tilespmem:s14+$0x3240]  }
0x8b: {  	v27 =	vld [tilespmem:s14+$0x3250]  }
0x8c: {  	v28 =	vld [tilespmem:s14+$0x3260]  }
0x8d: {  	v29 =	vld [tilespmem:s14+$0x3270]  }
0x8e: {  	v18 =	vadd.f32 v18, v11;
	v30 =	vld [tilespmem:s14+$0x3280]  }
0x8f: {  	v31 =	vld [tilespmem:s14+$0x32A0];
	v19 =	vadd.f32 v19, v8;
	v12 =	vadd.f32 v20, v12  }
0x90: {  	p1 =	por $0x1, $0x1;
	v20 =	vld [tilespmem:s14+$0x3290];
	v21 =	vadd.f32 v21, v9;
	v22 =	vadd.f32 v22, v13  }
.Ltmp2:
0x91: {  	v9 =	vadd.f32 v23, v10;
	v13 =	vadd.f32 v24, v14;
	(pc) =	sbr.rel @!p1 .LBB2_7-.Ltmp2, $4  }
0x92: {  	v10 =	vadd.f32 v25, v15;
	v11 =	vadd.f32 v26, v16  }
0x93: {  	v17 =	vadd.f32 v27, v17;
	v8 =	vadd.f32 v28, v18  }
0x94: {  	v14 =	vadd.f32 v29, v19;
	v15 =	vadd.f32 v30, v12  }
0x95: {  	s1 =	simm.s32 $0x0;
	p0 =	por $0x0, $0x0;
	v16 =	vadd.f32 v31, v22;
	v18 =	vadd.f32 v20, v21  }
0x96: {  	v19 =	vld [tilespmem:s1+$0x4BB0]  }
0x97: {  	v21 =	vld [tilespmem:s1+$0x4B20]  }
0x98: {  	v23 =	vld [tilespmem:s1+$0x4B30]  }
0x99: {  	v24 =	vld [tilespmem:s1+$0x4B40]  }
0x9a: {  	v26 =	vld [tilespmem:s1+$0x4B50]  }
0x9b: {  	p3 =	por $0x1, $0x1  }
.Ltmp3:
0x9c: {  	v12 =	vld [tilespmem:s1+$0x4B60];
	(pc) =	sbr.rel @!p3 .LBB2_9-.Ltmp3, $4  }
0x9d: {  	v20 =	vld [tilespmem:s1+$0x4B70];
	v9 =	vadd.f32 v19, v9  }
0x9e: {  	v22 =	vld [tilespmem:s1+$0x4B80];
	v13 =	vadd.f32 v21, v13;
	v10 =	vadd.f32 v23, v10  }
0x9f: {  	v25 =	vld [tilespmem:s1+$0x4B90];
	v11 =	vadd.f32 v24, v11;
	v17 =	vadd.f32 v26, v17  }
0xa0: {  	s14 =	simm.s32 $0xA0;
	s15 =	simm.s32 $0x500;
	v27 =	vld [tilespmem:s1+$0x4BA0];
	p2 =	por $0x1, $0x1;
	v19 =	vmovc v8;
	v21 =	vmovc v14;
	v23 =	vmov v15;
	v24 =	vmov v18;
	v26 =	vmov v16  }
.LBB2_10:
0xa1: {  	p3 =	sne.s32 s15, $0x6180;
	v28 =	vld [tilespmem:s14+$0x4BB0];
	v19 =	vadd.f32 v12, v19  }
0xa2: {  	v29 =	vld [tilespmem:s14+$0x4B20];
	v21 =	vadd.f32 v20, v21  }
0xa3: {  	v30 =	vld [tilespmem:s14+$0x4B30];
	v23 =	vadd.f32 v22, v23  }
0xa4: {  	v31 =	vld [tilespmem:s14+$0x4B40];
	v24 =	vadd.f32 v25, v24  }
0xa5: {  	v32 =	vld [tilespmem:s14+$0x4B50];
	v26 =	vadd.f32 v27, v26  }
.Ltmp4:
0xa6: {  	v12 =	vld [tilespmem:s14+$0x4B60];
	v9 =	vadd.f32 v28, v9;
	(pc) =	sbr.rel @p3 .LBB2_10-.Ltmp4, $4  }
0xa7: {  	v13 =	vadd.f32 v29, v13;
	v20 =	vld [tilespmem:s14+$0x4B70]  }
0xa8: {  	v10 =	vadd.f32 v30, v10;
	v22 =	vld [tilespmem:s14+$0x4B80]  }
0xa9: {  	v11 =	vadd.f32 v31, v11;
	v25 =	vld [tilespmem:s14+$0x4B90]  }
0xaa: {  	v17 =	vadd.f32 v32, v17;
	v27 =	vld [tilespmem:s14+$0x4BA0];
	s14 =	sshra.s32 s15, $0x2;
	s15 =	sadd.s32 $0x280, s15  }
.LBB2_11:
0xab: {  	v28 =	vld [tilespmem:s14+$0x4BB0]  }
0xac: {  	v29 =	vld [tilespmem:s14+$0x4B20]  }
0xad: {  	v30 =	vld [tilespmem:s14+$0x4B30]  }
0xae: {  	v31 =	vld [tilespmem:s14+$0x4B40]  }
0xaf: {  	v32 =	vld [tilespmem:s14+$0x4B50]  }
0xb0: {  	v33 =	vld [tilespmem:s14+$0x4B60]  }
0xb1: {  	v34 =	vld [tilespmem:s14+$0x4B70]  }
0xb2: {  	v19 =	vadd.f32 @p2 v12, v19;
	v61 =	vld [tilespmem:s14+$0x4B80];
	v20 =	vadd.f32 @p2 v20, v21  }
0xb3: {  	v62 =	vld [tilespmem:s14+$0x4B90];
	v21 =	vadd.f32 @p2 v22, v23;
	v23 =	vadd.f32 @p2 v25, v24  }
0xb4: {  	v63 =	vld [tilespmem:s14+$0x4BA0];
	v24 =	vadd.f32 @p2 v27, v26;
	v12 =	vadd.f32 v28, v9  }
.Ltmp5:
0xb5: {  	v8 =	vpsel p2, v19, v8;
	v9 =	vadd.f32 v29, v13;
	v13 =	vadd.f32 v30, v10;
	(pc) =	sbr.rel @!p1 .LBB2_12-.Ltmp5, $4  }
0xb6: {  	v15 =	vpsel p2, v21, v15;
	v10 =	vadd.f32 v31, v11;
	v11 =	vadd.f32 v32, v17  }
0xb7: {  	v17 =	vpsel p2, v20, v14;
	v18 =	vpsel p2, v23, v18;
	v14 =	vadd.f32 v33, v8  }
0xb8: {  	v8 =	vpsel p2, v24, v16;
	v16 =	vadd.f32 v34, v17;
	v17 =	vadd.f32 v61, v15  }
0xb9: {  	v15 =	vadd.f32 v62, v18;
	v8 =	vadd.f32 v63, v8  }
0xba: {  	v19 =	vld [tilespmem:s1+$0x64B0]  }
0xbb: {  	v22 =	vld [tilespmem:s1+$0x6420]  }
0xbc: {  	v23 =	vld [tilespmem:s1+$0x6430]  }
0xbd: {  	v24 =	vld [tilespmem:s1+$0x6440]  }
0xbe: {  	v26 =	vld [tilespmem:s1+$0x6450]  }
0xbf: {  	p1 =	por $0x1, $0x1  }
.Ltmp6:
0xc0: {  	v18 =	vld [tilespmem:s1+$0x6460];
	(pc) =	sbr.rel @!p1 .LBB2_14-.Ltmp6, $4  }
0xc1: {  	v20 =	vld [tilespmem:s1+$0x6470];
	v12 =	vadd.f32 v19, v12  }
0xc2: {  	v21 =	vld [tilespmem:s1+$0x6480];
	v9 =	vadd.f32 v22, v9;
	v13 =	vadd.f32 v23, v13  }
0xc3: {  	v25 =	vld [tilespmem:s1+$0x6490];
	v10 =	vadd.f32 v24, v10;
	v11 =	vadd.f32 v26, v11  }
0xc4: {  	s14 =	simm.s32 $0xA0;
	s15 =	simm.s32 $0x500;
	v27 =	vld [tilespmem:s1+$0x64A0];
	p0 =	por $0x1, $0x1;
	v19 =	vmovc v14;
	v22 =	vmovc v16;
	v23 =	vmov v17;
	v24 =	vmov v15;
	v26 =	vmov v8  }
.LBB2_15:
0xc5: {  	p1 =	sne.s32 s15, $0x6180;
	v28 =	vld [tilespmem:s14+$0x64B0];
	v19 =	vadd.f32 v18, v19  }
0xc6: {  	v29 =	vld [tilespmem:s14+$0x6420];
	v22 =	vadd.f32 v20, v22  }
0xc7: {  	v30 =	vld [tilespmem:s14+$0x6430];
	v23 =	vadd.f32 v21, v23  }
0xc8: {  	v31 =	vld [tilespmem:s14+$0x6440];
	v24 =	vadd.f32 v25, v24  }
0xc9: {  	v32 =	vld [tilespmem:s14+$0x6450];
	v26 =	vadd.f32 v27, v26  }
.Ltmp7:
0xca: {  	v18 =	vld [tilespmem:s14+$0x6460];
	v12 =	vadd.f32 v28, v12;
	(pc) =	sbr.rel @p1 .LBB2_15-.Ltmp7, $4  }
0xcb: {  	v9 =	vadd.f32 v29, v9;
	v20 =	vld [tilespmem:s14+$0x6470]  }
0xcc: {  	v13 =	vadd.f32 v30, v13;
	v21 =	vld [tilespmem:s14+$0x6480]  }
0xcd: {  	v10 =	vadd.f32 v31, v10;
	v25 =	vld [tilespmem:s14+$0x6490]  }
0xce: {  	v11 =	vadd.f32 v32, v11;
	v27 =	vld [tilespmem:s14+$0x64A0];
	s14 =	sshra.s32 s15, $0x2;
	s15 =	sadd.s32 $0x280, s15  }
0xcf: {  	s1 =	smov.u32 s14  }
.LBB2_17:
0xd0: {  	v28 =	vld [tilespmem:s1+$0x64B0]  }
0xd1: {  	v29 =	vld [tilespmem:s1+$0x6420]  }
0xd2: {  	v30 =	vld [tilespmem:s1+$0x6430]  }
0xd3: {  	v31 =	vld [tilespmem:s1+$0x6440]  }
0xd4: {  	v32 =	vld [tilespmem:s1+$0x6450]  }
0xd5: {  	v33 =	vld [tilespmem:s1+$0x6460]  }
0xd6: {  	v34 =	vld [tilespmem:s1+$0x6470]  }
0xd7: {  	v35 =	vld [tilespmem:s1+$0x6480]  }
0xd8: {  	v36 =	vld [tilespmem:s1+$0x6490]  }
0xd9: {  	v18 =	vadd.f32 @p0 v18, v19;
	v19 =	vadd.f32 @p0 v20, v22;
	v20 =	vld [tilespmem:s1+$0x64A0];
	s15 =	simm.s32 $0x0  }
0xda: {  	v21 =	vadd.f32 @p0 v21, v23;
	v23 =	vld [tilespmem:s15+$0x7DB0];
	v22 =	vadd.f32 @p0 v25, v24  }
0xdb: {  	v57 =	vld [tilespmem:s15+$0x7D20];
	v24 =	vadd.f32 @p0 v27, v26;
	v56 =	vadd.f32 v28, v12  }
0xdc: {  	v60 =	vld [tilespmem:s15+$0x7D30];
	v58 =	vadd.f32 v29, v9;
	v59 =	vadd.f32 v30, v13  }
0xdd: {  	v63 =	vld [tilespmem:s15+$0x7D40];
	v61 =	vadd.f32 v31, v10;
	v62 =	vadd.f32 v32, v11  }
0xde: {  	v9 =	vpsel p0, v18, v14;
	v10 =	vpsel p0, v19, v16;
	v11 =	vpsel p0, v21, v17;
	v21 =	vld [tilespmem:s15+$0x7D50]  }
0xdf: {  	v14 =	vpsel p0, v22, v15;
	v18 =	vld [tilespmem:s15+$0x7D60];
	v13 =	vadd.f32 v33, v9;
	v12 =	vadd.f32 v34, v10  }
0xe0: {  	v8 =	vpsel p0, v24, v8;
	v22 =	vld [tilespmem:s15+$0x7D70];
	v11 =	vadd.f32 v35, v11;
	v10 =	vadd.f32 v36, v14  }
0xe1: {  	v9 =	vadd.f32 v20, v8;
	v20 =	vld [tilespmem:s15+$0x7D80];
	v8 =	vadd.f32 v23, v56  }
0xe2: {  	v19 =	vld [tilespmem:s15+$0x7D90];
	v17 =	vadd.f32 v57, v58;
	v16 =	vadd.f32 v60, v59  }
0xe3: {  	s1 =	simm.s32 $0xA0;
	s14 =	simm.s32 $0x500;
	v14 =	vadd.f32 v63, v61;
	v15 =	vadd.f32 v21, v62;
	v21 =	vld [tilespmem:s15+$0x7DA0]  }
.LBB2_18:
0xe4: {  	p0 =	sne.s32 s14, $0x6180;
	v23 =	vld [tilespmem:s1+$0x7DB0];
	v13 =	vadd.f32 v18, v13  }
0xe5: {  	v24 =	vld [tilespmem:s1+$0x7D20];
	v12 =	vadd.f32 v22, v12  }
0xe6: {  	v25 =	vld [tilespmem:s1+$0x7D30];
	v11 =	vadd.f32 v20, v11  }
0xe7: {  	v26 =	vld [tilespmem:s1+$0x7D40];
	v10 =	vadd.f32 v19, v10  }
0xe8: {  	v27 =	vld [tilespmem:s1+$0x7D50];
	v9 =	vadd.f32 v21, v9  }
.Ltmp8:
0xe9: {  	v18 =	vld [tilespmem:s1+$0x7D60];
	v8 =	vadd.f32 v23, v8;
	(pc) =	sbr.rel @p0 .LBB2_18-.Ltmp8, $4  }
0xea: {  	v17 =	vadd.f32 v24, v17;
	v22 =	vld [tilespmem:s1+$0x7D70]  }
0xeb: {  	v16 =	vadd.f32 v25, v16;
	v20 =	vld [tilespmem:s1+$0x7D80]  }
0xec: {  	v14 =	vadd.f32 v26, v14;
	v19 =	vld [tilespmem:s1+$0x7D90]  }
0xed: {  	v15 =	vadd.f32 v27, v15;
	v21 =	vld [tilespmem:s1+$0x7DA0];
	s1 =	sshra.s32 s14, $0x2;
	s14 =	sadd.s32 $0x280, s14  }
0xee: {  	v23 =	vld [tilespmem:s1+$0x7DB0]  }
0xef: {  	v24 =	vld [tilespmem:s1+$0x7D20]  }
0xf0: {  	v25 =	vld [tilespmem:s1+$0x7D30]  }
0xf1: {  	v26 =	vld [tilespmem:s1+$0x7D40]  }
0xf2: {  	v27 =	vld [tilespmem:s1+$0x7D50]  }
0xf3: {  	v28 =	vld [tilespmem:s1+$0x7D60]  }
0xf4: {  	v29 =	vld [tilespmem:s1+$0x7D70]  }
0xf5: {  	v30 =	vld [tilespmem:s1+$0x7D80];
	s14 =	smul.u32 $0x280, s31  }
0xf6: {  	v62 =	vld [tilespmem:s1+$0x7D90];
	v17 =	vadd.f32 v24, v17  }
0xf7: {  	v63 =	vld [tilespmem:s1+$0x7DA0];
	s1 =	sshra.s32 s14, $0x2;
	v16 =	vadd.f32 v25, v16  }
0xf8: {  	v13 =	vadd.f32 v18, v13;
	v14 =	vadd.f32 v26, v14;
	[tilespmem:s1+$0x9C60] =	vst v17  }
0xf9: {  	s15 =	simm.s32 $0x0;
	v12 =	vadd.f32 v22, v12;
	v15 =	vadd.f32 v27, v15;
	[tilespmem:s1+$0x9C70] =	vst v16  }
0xfa: {  	v11 =	vadd.f32 v20, v11;
	v13 =	vadd.f32 v28, v13;
	[tilespmem:s1+$0x9C80] =	vst v14;
	v14 =	vmov s15  }
0xfb: {  	v10 =	vadd.f32 v19, v10;
	v12 =	vadd.f32 v29, v12;
	[tilespmem:s1+$0x9C90] =	vst v15;
	v14 =	vshll.u32 v14, $0x3  }
0xfc: {  	v11 =	vadd.f32 v30, v11;
	v15 =	vadd.f32 v21, v9;
	[tilespmem:s1+$0x9CA0] =	vst v13;
	v9 =	vor.u32 v1, v14  }
0xfd: {  	v10 =	vadd.f32 v62, v10;
	[tilespmem:s1+$0x9CB0] =	vst v12;
	v12 =	vor.u32 v0, v9  }
0xfe: {  	v8 =	vadd.f32 v23, v8;
	[tilespmem:s1+$0x9CC0] =	vst v11;
	s15 =	simm.s32 $0x2  }
0xff: {  	[tilespmem:s1+$0x9CD0] =	vst v10;
	v11 =	vmov s15;
	v13 =	vadd.f32 v63, v15  }
0x100: {  	[tilespmem:s1+$0x9CF0] =	vst v8;
	v10 =	vshll.u32 v11, $0x3  }
0x101: {  	v8 =	vor.u32 v1, v10;
	[tilespmem:s1+$0x9CE0] =	vst v13  }
0x102: {  	v10 =	vimm.f32 $0.0e+00;
	s1 =	simm.s32 $0x4;
	v11 =	vld.idx.msk [tilespmem:v12+s20+$0x0], $0xffff;
	v12 =	vor.u32 v0, v8  }
.LBB2_20:
0x103: {  	p0 =	sne.s32 s1, $0x26  }
.Ltmp9:
0x104: {  	_ = 	snop;
	(pc) =	sbr.rel @p0 .LBB2_20-.Ltmp9, $4  }
0x105: {  	v13 =	vmov s1  }
0x106: {  	v13 =	vshll.u32 v13, $0x3  }
0x107: {  	v13 =	vor.u32 v1, v13  }
0x108: {  	s1 =	sadd.s32 $0x2, s1;
	v10 =	vadd.f32 v11, v10;
	v11 =	vld.idx.msk [tilespmem:v12+s20+$0x0], $0xffff;
	v12 =	vor.u32 v0, v13  }
0x109: {  	_ =	sdelay $0x3  }
0x10a: {  	v12 =	vld.idx.msk [tilespmem:v12+s20+$0x0], $0xffff;
	v13 =	vadd.s32 v2, v9;
	_ =	sdelay $0x2  }
0x10b: {  	v9 =	vadd.f32 v11, v10;
	_ =	sdelay $0x1  }
0x10c: {  	s1 =	simm.s32 $0x4;
	v11 =	vadd.s32 v2, v8;
	v10 =	vld.idx.msk [tilespmem:v13+s20+$0x0], $0xffff;
	v9 =	vadd.f32 v12, v9  }
.LBB2_22:
0x10d: {  	p0 =	sne.s32 s1, $0x26  }
.Ltmp10:
0x10e: {  	_ = 	snop;
	(pc) =	sbr.rel @p0 .LBB2_22-.Ltmp10, $4  }
0x10f: {  	v8 =	vmov s1  }
0x110: {  	v8 =	vshll.u32 v8, $0x3  }
0x111: {  	v8 =	vor.u32 v1, v8  }
0x112: {  	s1 =	sadd.s32 $0x2, s1;
	v9 =	vadd.f32 v10, v9;
	v10 =	vld.idx.msk [tilespmem:v11+s20+$0x0], $0xffff;
	v11 =	vadd.s32 v2, v8  }
0x113: {  	s1 =	simm.s32 $0x0  }
0x114: {  	v8 =	vmov s1  }
0x115: {  	v8 =	vshll.u32 v8, $0x3  }
0x116: {  	v8 =	vor.u32 v1, v8  }
0x117: {  	v11 =	vld.idx.msk [tilespmem:v11+s20+$0x0], $0xffff;
	v12 =	vadd.s32 v3, v8  }
0x118: {  	s15 =	simm.s32 $0x2  }
0x119: {  	v13 =	vmov s15  }
0x11a: {  	v10 =	vadd.f32 v10, v9;
	v9 =	vshll.u32 v13, $0x3  }
0x11b: {  	v9 =	vor.u32 v1, v9  }
0x11c: {  	s1 =	simm.s32 $0x4;
	v10 =	vadd.f32 v11, v10;
	v11 =	vld.idx.msk [tilespmem:v12+s20+$0x0], $0xffff;
	v12 =	vadd.s32 v3, v9  }
.LBB2_24:
0x11d: {  	p0 =	sne.s32 s1, $0x26  }
.Ltmp11:
0x11e: {  	_ = 	snop;
	(pc) =	sbr.rel @p0 .LBB2_24-.Ltmp11, $4  }
0x11f: {  	v13 =	vmov s1  }
0x120: {  	v13 =	vshll.u32 v13, $0x3  }
0x121: {  	v13 =	vor.u32 v1, v13  }
0x122: {  	s1 =	sadd.s32 $0x2, s1;
	v10 =	vadd.f32 v11, v10;
	v11 =	vld.idx.msk [tilespmem:v12+s20+$0x0], $0xffff;
	v12 =	vadd.s32 v3, v13  }
0x123: {  	_ =	sdelay $0x3  }
0x124: {  	v12 =	vld.idx.msk [tilespmem:v12+s20+$0x0], $0xffff;
	v13 =	vadd.s32 v4, v8;
	_ =	sdelay $0x2  }
0x125: {  	v8 =	vadd.f32 v11, v10;
	_ =	sdelay $0x1  }
0x126: {  	s1 =	simm.s32 $0x4;
	v9 =	vadd.s32 v4, v9;
	v10 =	vld.idx.msk [tilespmem:v13+s20+$0x0], $0xffff;
	v8 =	vadd.f32 v12, v8  }
.LBB2_26:
0x127: {  	p0 =	sne.s32 s1, $0x26  }
.Ltmp12:
0x128: {  	_ = 	snop;
	(pc) =	sbr.rel @p0 .LBB2_26-.Ltmp12, $4  }
0x129: {  	v11 =	vmov s1  }
0x12a: {  	v11 =	vshll.u32 v11, $0x3  }
0x12b: {  	v11 =	vor.u32 v1, v11  }
0x12c: {  	s1 =	sadd.s32 $0x2, s1;
	v8 =	vadd.f32 v10, v8;
	v10 =	vld.idx.msk [tilespmem:v9+s20+$0x0], $0xffff;
	v9 =	vadd.s32 v4, v11  }
0x12d: {  	s1 =	simm.s32 $0x0  }
0x12e: {  	v11 =	vmov s1  }
0x12f: {  	v11 =	vshll.u32 v11, $0x3  }
0x130: {  	v11 =	vor.u32 v1, v11  }
0x131: {  	v9 =	vld.idx.msk [tilespmem:v9+s20+$0x0], $0xffff;
	v11 =	vadd.s32 v5, v11  }
0x132: {  	s15 =	simm.s32 $0x2  }
0x133: {  	v12 =	vmov s15  }
0x134: {  	v8 =	vadd.f32 v10, v8;
	v10 =	vshll.u32 v12, $0x3  }
0x135: {  	v10 =	vor.u32 v1, v10  }
0x136: {  	s1 =	simm.s32 $0x4;
	v8 =	vadd.f32 v9, v8;
	v10 =	vadd.s32 v5, v10;
	v9 =	vld.idx.msk [tilespmem:v11+s20+$0x0], $0xffff  }
.LBB2_28:
0x137: {  	p0 =	sne.s32 s1, $0x26  }
.Ltmp13:
0x138: {  	_ = 	snop;
	(pc) =	sbr.rel @p0 .LBB2_28-.Ltmp13, $4  }
0x139: {  	v11 =	vmov s1  }
0x13a: {  	v11 =	vshll.u32 v11, $0x3  }
0x13b: {  	v11 =	vor.u32 v1, v11  }
0x13c: {  	s1 =	sadd.s32 $0x2, s1;
	v8 =	vadd.f32 v9, v8;
	v9 =	vld.idx.msk [tilespmem:v10+s20+$0x0], $0xffff;
	v10 =	vadd.s32 v5, v11  }
0x13d: {  	_ =	sdelay $0x3  }
0x13e: {  	v10 =	vld.idx.msk [tilespmem:v10+s20+$0x0], $0xffff;
	_ =	sdelay $0x2  }
0x13f: {  	v8 =	vadd.f32 v9, v8;
	_ =	sdelay $0x1  }
0x140: {  	v8 =	vadd.f32 v10, v8;
	_ =	sdelay $0x1  }
0x141: {  	[tilespmem:$0xC760] =	vst v8  }
0x142: {  	v63 =	vld.idx.msk [tilespmem:v6+s30+$0x0], $0xffff  }
0x143: {  	s1 =	sshll.u32 s31, $0x4;
	s31 =	sadd.s32 $0x1, s31  }
0x144: {  	p0 =	sne.s32 s31, $0x20  }
.Ltmp14:
0x145: {  	_ = 	snop;
	(pc) =	sbr.rel @p0 .LBB2_2-.Ltmp14, $4  }
.Ltmp15:
0x146: {  	_ = 	snop;
	(pc) =	sbr.rel @!p0 .LBB2_30-.Ltmp15, $4  }
0x147: {  	v8 =	vadd.f32 v63, v8  }
0x148: {  	s1 =	sand.u32 $0x3FFFFFF0, s1  }
0x149: {  	[tilespmem:s1+$0xB060] =	vst v8  }
0x14a: {  	_ = 	snop  }
.LBB2_7:
.Ltmp16:
0x14b: {  	(pc) =	sbr.rel .LBB2_11-.Ltmp16, $2  }
0x14c: {  	_ =	sdelay $0x2  }
0x14d: {  	s14 =	simm.s32 $0x0;
	v19 =	vmovc v8;
	v21 =	vmovc v14;
	v23 =	vmov v15;
	p2 =	por $0x0, $0x0;
	v24 =	vmov v18;
	v26 =	vmov v16  }
.LBB2_12:
.Ltmp17:
0x14e: {  	(pc) =	sbr.rel .LBB2_17-.Ltmp17, $2  }
0x14f: {  	_ =	sdelay $0x2  }
0x150: {  	v19 =	vmovc v14;
	v22 =	vmovc v16;
	v23 =	vmov v17;
	v24 =	vmov v15;
	v26 =	vmov v8  }
.LBB2_9:
.Ltmp18:
0x151: {  	(pc) =	sbr.rel .LBB2_11-.Ltmp18, $2  }
0x152: {  	_ =	sdelay $0x2  }
0x153: {  	v19 =	vmovc v8;
	v21 =	vmovc v14;
	v23 =	vmov v15;
	v24 =	vmov v18;
	v26 =	vmov v16  }
.LBB2_14:
.Ltmp19:
0x154: {  	(pc) =	sbr.rel .LBB2_17-.Ltmp19, $2  }
0x155: {  	_ =	sdelay $0x2  }
0x156: {  	s1 =	simm.s32 $0xA0;
	v19 =	vmovc v14;
	v22 =	vmovc v16;
	v23 =	vmov v17;
	v24 =	vmov v15;
	v26 =	vmov v8  }
.LBB2_30:
0x157: {  	v8 =	vld [tilespmem:$0x1900]  }
0x158: {  	v9 =	vld [tilespmem:$0x1910];
	_ =	sdelay $0x3  }
0x159: {  	vm0 =	veq.s32 v8, $0x0  }
0x15a: {  	vm15 =	veq.s32 v9, $0x0;
	v8 =	vsel vm0, $0x0, v7  }
0x15b: {  	[tilespmem:$0xC760] =	vst v8;
	v8 =	vsel vm15, $0x0, v7  }
0x15c: {  	s14 =	simm.s32 $0x0;
	s1 =	simm.s32 $0xB2B0;
	[tilespmem:$0xC770] =	vst v8  }
0x15d: {  	v9 =	vmov s14;
	v8 =	vld [tilespmem:s1+$0xFFFFFFF0]  }
0x15e: {  	v14 =	vld [tilespmem:s1+$0x40]  }
0x15f: {  	v17 =	vld [tilespmem:s1+$0x20]  }
0x160: {  	v15 =	vld [tilespmem:s1+$0xFFFFFFB0]  }
0x161: {  	v19 =	vld [tilespmem:s1+$0xFFFFFFD0]  }
0x162: {  	v9 =	vld.idx.msk [tilespmem:v9+s30+$0x0], $0xffff  }
0x163: {  	v11 =	vld [tilespmem:s1+$0x0]  }
0x164: {  	v10 =	vld [tilespmem:s1+$0x30]  }
0x165: {  	v13 =	vld [tilespmem:s1+$0xFFFFFFC0]  }
0x166: {  	v12 =	vld [tilespmem:s1+$0xFFFFFFE0]  }
0x167: {  	v16 =	vmul.f32 v15, v9;
	v18 =	vmul.f32 v14, v9;
	v14 =	vld [tilespmem:s1+$0x10]  }
0x168: {  	s31 =	simm.s32 $0xB2B0;
	s14 =	simm.s32 $0x1;
	v15 =	vmul.f32 v19, v9;
	v17 =	vmul.f32 v17, v9  }
.LBB2_31:
0x169: {  	p0 =	sne.s32 s14, $0x1F  }
0x16a: {  	v13 =	vmul.f32 v13, v9;
	v11 =	vmul.f32 v11, v9;
	[tilespmem:s1+$0x40] =	vst v18;
	s31 =	sadd.s32 $0xA0, s31;
	s15 =	smov.u32 s14;
	s14 =	sadd.s32 $0x1, s14  }
0x16b: {  	[tilespmem:s1+$0xFFFFFFB0] =	vst v16;
	v12 =	vmul.f32 v12, v9;
	v16 =	vmul.f32 v8, v9  }
0x16c: {  	v14 =	vmul.f32 v14, v9;
	[tilespmem:s1+$0x20] =	vst v17;
	v9 =	vmul.f32 v10, v9  }
0x16d: {  	[tilespmem:s1+$0x0] =	vst v11  }
0x16e: {  	[tilespmem:s1+$0xFFFFFFD0] =	vst v15  }
0x16f: {  	v10 =	vmov s15;
	v8 =	vld [tilespmem:s31+$0xFFFFFFF0];
	[tilespmem:s1+$0xFFFFFFF0] =	vst v16  }
0x170: {  	v15 =	vld [tilespmem:s31+$0x40];
	[tilespmem:s1+$0x30] =	vst v9  }
0x171: {  	v11 =	vld [tilespmem:s31+$0x0];
	[tilespmem:s1+$0x10] =	vst v14  }
0x172: {  	v17 =	vld [tilespmem:s31+$0x20];
	[tilespmem:s1+$0xFFFFFFE0] =	vst v12  }
0x173: {  	v16 =	vld [tilespmem:s31+$0xFFFFFFB0];
	[tilespmem:s1+$0xFFFFFFC0] =	vst v13;
	s1 =	smov.u32 s31  }
0x174: {  	v9 =	vld.idx.msk [tilespmem:v10+s30+$0x0], $0xffff  }
0x175: {  	v10 =	vld [tilespmem:s31+$0x30]  }
0x176: {  	v19 =	vld [tilespmem:s31+$0xFFFFFFD0]  }
.Ltmp20:
0x177: {  	v13 =	vld [tilespmem:s31+$0xFFFFFFC0];
	(pc) =	sbr.rel @p0 .LBB2_31-.Ltmp20, $4  }
0x178: {  	v12 =	vld [tilespmem:s31+$0xFFFFFFE0]  }
0x179: {  	v14 =	vld [tilespmem:s31+$0x10]  }
0x17a: {  	v16 =	vmul.f32 v16, v9;
	v18 =	vmul.f32 v15, v9  }
0x17b: {  	v17 =	vmul.f32 v17, v9;
	v15 =	vmul.f32 v19, v9  }
0x17c: {  	[tilespmem:s1+$0x40] =	vst v18  }
0x17d: {  	[tilespmem:s1+$0xFFFFFFB0] =	vst v16  }
0x17e: {  	v11 =	vmul.f32 v11, v9;
	[tilespmem:s1+$0x20] =	vst v17  }
0x17f: {  	v8 =	vmul.f32 v8, v9;
	[tilespmem:s1+$0xFFFFFFD0] =	vst v15  }
0x180: {  	v10 =	vmul.f32 v10, v9;
	[tilespmem:s1+$0x0] =	vst v11  }
0x181: {  	v63 =	vmul.f32 v13, v9;
	[tilespmem:s1+$0xFFFFFFF0] =	vst v8  }
0x182: {  	v62 =	vmul.f32 v14, v9;
	[tilespmem:s1+$0x30] =	vst v10  }
0x183: {  	v8 =	vmul.f32 v12, v9;
	[tilespmem:s1+$0xFFFFFFC0] =	vst v63  }
0x184: {  	[tilespmem:s1+$0x10] =	vst v62  }
0x185: {  	s15 =	simm.s32 $0x9C60;
	[tilespmem:s1+$0xFFFFFFE0] =	vst v8  }
0x186: {  	[hbm4b:s7+s2] =	stream.linear.scatter [tilespmem:s15], [sflag:$0x2], $0x1400, $0x38;
	[tilespmem:$0xC780] =	vst v63  }
0x187: {  	_ =	swait.ge [sflag:s12], $0x1400  }
0x188: {  	[sflag:s12] =	ssyncset.done $0x0  }
0x189: {  	s31 =	simm.s32 $0xB060;
	[sflag:s12] =	ssyncadd.s32 $0xFFFFEC00  }
0x18a: {  	[hbm4b:s8+s2] =	stream.linear.scatter [tilespmem:s31], [sflag:$0x2], $0x200, $0x38;
	[tilespmem:$0xC780] =	vst v63  }
0x18b: {  	_ =	swait.ge [sflag:s12], $0x200  }
0x18c: {  	[sflag:s12] =	ssyncset.done $0x0  }
0x18d: {  	s14 =	simm.s32 $0xB260;
	[sflag:s12] =	ssyncadd.s32 $0xFFFFFE00  }
0x18e: {  	[hbm4b:s9+s2] =	stream.linear.scatter [tilespmem:s14], [sflag:$0x2], $0x1400, $0x38;
	[tilespmem:$0xC780] =	vst v63  }
0x18f: {  	s0 =	sadd.s32 $0x1, s0;
	_ =	swait.ge [sflag:s12], $0x1400  }
0x190: {  	p0 =	sne.s32 s0, s11;
	[sflag:s12] =	ssyncset.done $0x0  }
.Ltmp21:
0x191: {  	[sflag:s12] =	ssyncadd.s32 $0xFFFFEC00;
	(pc) =	sbr.rel @p0 .LBB2_1-.Ltmp21, $4  }
0x192: {  	[hbm4b:s10+s2] =	stream.linear.scatter [tilespmem:s17], [sflag:$0x2], $0x100, $0x38;
	[tilespmem:$0xC780] =	vst v63  }
0x193: {  	_ =	swait.ge [sflag:s12], $0x100  }
0x194: {  	[sflag:s12] =	ssyncset.done $0x0  }
0x195: {  	[sflag:s12] =	ssyncadd.s32 $0xFFFFFF00  }
0x196: {  	_ =	sfence.sel $0x180000  }
0x197: {  	[bflag:$0x0] =	sbarrier.arrive $0xFFFF  }
0x198: {  	_ =	strace $0x90000047  }
0x199: {  	s0 =	stileid.u32;
	[bflag:$0x2] =	sbarrier.arrive $0xFFFF  }
0x19a: {  	p0 =	sne.s32 s0, $0x0;
	s0 =	rddreg [dreg:$0x2]  }
0x19b: {  	s0 =	sadd.s32 @!p0 $0x100000, s0  }
0x19c: {  	[sflag:s0] =	ssyncadd.tile.s32 @!p0 $0x1;
	_ =	shalt  }
.Lfunc_end2:
_tile_overlayer_lowered:
.L_overlay_start_2:
0x19d: {  	(tag) =	ssettag $0x2  }
0x19e: {  	s0 =	rddreg [dreg:$0x0];
	s2 =	stileid.u32  }
0x19f: {  	s1 =	rddreg [dreg:$0x1];
	p0 =	sne.s32 s2, $0x0  }
0x1a0: {  	s3 =	rddreg [dreg:$0x2];
	[bflag:$0x3] =	sbarrier.arrive $0xFFFF;
	s2 =	simm.s32 @!p0 $0x1C02  }
0x1a1: {  	[timem:s3], [sflag:s2] =	dma.local @!p0 [hbm:s0], s1  }
0x1a2: {  	s0 =	simm.s32 @!p0 $0x2  }
0x1a3: {  	_ =	swait.ge @!p0 [sflag:s0], s1  }
0x1a4: {  	s1 =	ssub.s32 @!p0 $0x0, s1;
	[sflag:s0] =	ssyncset.done @!p0 $0x0  }
0x1a5: {  	[sflag:s0] =	ssyncadd.s32 @!p0 s1  }
0x1a6: {  	[bflag:$0x3] =	sbarrier.arrive $0xFFFF  }
0x1a7: {  	_ =	shalt  }

</sc_bundles>
